<compile_context>
chip_gen: v7x
topology: tpu7x:2x2x1
jax: 0.10.2.dev20260603
libtpu: 0.0.44.dev20260713+nightly
codegen_flags: <defaults>
</compile_context>

<pallas_src>
import functools

import jax
import jax.numpy as jnp
from jax import lax
from jax.experimental import pallas as pl
from jax.experimental.pallas import tpu as pltpu
from jax.experimental.pallas import tpu_sc as plsc

_L = 16
_NC = 2
_NS = 16
_NW = _NC * _NS
_GCHUNK = 128


def _fast_rsqrt(x):
    i = plsc.bitcast(x, jnp.int32)
    i = jnp.int32(0x5F3759DF) - (i >> 1)
    y = plsc.bitcast(i, jnp.float32)
    xh = x * jnp.float32(0.5)
    for _ in range(3):
        y = y * (jnp.float32(1.5) - xh * y * y)
    return y


def _make_kernel(num_actions, batch, dim):
    per_w = batch // _NW
    n_chunks = per_w // _GCHUNK
    n_groups = per_w // _L
    mesh = plsc.VectorSubcoreMesh(core_axis_name="c", subcore_axis_name="s")

    @functools.partial(
        pl.kernel,
        out_type=jax.ShapeDtypeStruct((batch, dim), jnp.float32),
        mesh=mesh,
        scratch_types=[
            pltpu.VMEM((n_chunks, _GCHUNK), jnp.int32),
            pltpu.VMEM((per_w, dim), jnp.float32),
            pltpu.SemaphoreType.DMA((n_chunks,)),
        ],
        compiler_params=pltpu.CompilerParams(
            needs_layout_passes=False, use_tc_tiling_on_sc=False
        ),
    )
    def body(table_hbm, idx_hbm, out_hbm, idx_v, rows_v, sems):
        wid = lax.axis_index("s") * _NC + lax.axis_index("c")
        base = wid * per_w

        pltpu.sync_copy(idx_hbm.at[wid], idx_v)
        copies = [
            pltpu.async_copy(
                table_hbm.at[idx_v.at[j]],
                rows_v.at[pl.ds(j * _GCHUNK, _GCHUNK)],
                sems.at[j],
            )
            for j in range(n_chunks)
        ]
        for c in copies:
            c.wait()

        lanes = lax.iota(jnp.int32, _L)

        def group(g, carry):
            row_ids = g * _L + lanes
            ss = jnp.zeros((_L,), jnp.float32)
            cols = []
            for c in range(dim):
                cidx = jnp.full((_L,), c, jnp.int32)
                v = plsc.load_gather(rows_v, [row_ids, cidx])
                cols.append(v)
                ss = ss + v * v
            rinv = _fast_rsqrt(jnp.maximum(ss, jnp.float32(1e-24)))
            for c in range(dim):
                cidx = jnp.full((_L,), c, jnp.int32)
                plsc.store_scatter(rows_v, [row_ids, cidx], cols[c] * rinv)
            return carry

        lax.fori_loop(0, n_groups, group, 0)

        pltpu.sync_copy(rows_v, out_hbm.at[pl.ds(base, per_w)])

    return body


def kernel(action, table):
    num_actions, dim = table.shape
    (batch,) = action.shape
    idx = action.astype(jnp.int32).reshape(_NW, batch // (_NW * _GCHUNK), _GCHUNK)
    return _make_kernel(num_actions, batch, dim)(table, idx)

# --- scband reference (transcript-rebuilt; emitter-appended) ---
"""Pipeline reference for scband-action-embedding-1529008357614 (READ-ONLY COPY).

The authoritative reference and input builder live on the scoring server;
editing this copy changes nothing except your own understanding.
"""

import jax, jax.numpy as jnp
import numpy as np

NUM_ACTIONS = 1000000
EMBED_DIM = 32
BATCH = 16384


def setup_inputs(seed: int = 0) -> dict:
    key = jax.random.key(seed)
    k1, k2 = jax.random.split(key)
    action = jax.random.randint(k1, (BATCH,), 0, NUM_ACTIONS, dtype=jnp.int64 if jax.config.jax_enable_x64 else jnp.int32)
    # trunc_normal_(std=0.02) approximated with clipped normal
    table = jnp.clip(jax.random.normal(k2, (NUM_ACTIONS, EMBED_DIM), dtype=jnp.float32) * 0.02, -0.04, 0.04)
    return {"action": action, "table": table}


def reference(action, table):
    # embedding lookup
    embedded = jnp.take(table, action, axis=0)
    # dropout p=0.0 -> identity
    # L2 normalize along last dim (torch F.normalize, eps=1e-12)
    norm = jnp.linalg.norm(embedded, ord=2, axis=-1, keepdims=True)
    embedded = embedded / jnp.maximum(norm, 1e-12)
    return embedded

if __name__ == "__main__":
    import jax
    _d = setup_inputs()
    print(jax.jit(kernel)(*tuple(_d.values())))

</pallas_src>

<mosaic_0001>
#map = affine_map<(d0, d1) -> (0, 0)>
#map1 = affine_map<(d0, d1) -> (0, 0, 0)>
module attributes {stable_mosaic.version = 14 : i64} {
  func.func @body(%arg0: i32, %arg1: i32, %arg2: memref<1000000x32xf32, #tpu.memory_space<hbm>>, %arg3: memref<32x4x128xi32, #tpu.memory_space<hbm>>, %arg4: memref<16384x32xf32, #tpu.memory_space<hbm>>, %arg5: memref<4x128xi32, #tpu.memory_space<vmem>>, %arg6: memref<512x32xf32, #tpu.memory_space<vmem>>, %arg7: memref<4x!tpu.dma_semaphore, #tpu.memory_space<semaphore_mem>>) attributes {dimension_semantics = [#tpu.dimension_semantics<core_parallel>, #tpu.dimension_semantics<subcore_parallel>], iteration_bounds = array<i64: 2, 16>, scalar_prefetch = 0 : i64, scratch_operands = 3 : i64, tpu.core_type = #tpu.core_type<sc_vector_subcore>, window_params = [{transform_indices = #map}, {transform_indices = #map1}, {transform_indices = #map}]} {
    %mul3A = arith.constant 2 : i32
    %mul3A_0 = arith.muli %arg1, %mul3A : i32
    %add3A = arith.addi %mul3A_0, %arg0 : i32
    %mul3A_1 = arith.constant 512 : i32
    %mul3A_2 = arith.muli %add3A, %mul3A_1 : i32
    "tpu.region"() ({
      %run_scoped3A = tpu.sem_alloc : memref<!tpu.dma_semaphore, #tpu.memory_space<semaphore_mem>>
      %dma_start3A_110 = arith.constant 0 : i32
      %dma_start3A_111 = arith.constant 0 : i32
      %dma_start3A_112 = tpu.memref_slice %arg3[%add3A, %dma_start3A_110, %dma_start3A_111] : memref<32x4x128xi32, #tpu.memory_space<hbm>> -> memref<1x4x128xi32, #tpu.memory_space<hbm>>
      %dma_start3A_113 = tpu.memref_squeeze %dma_start3A_112 : memref<1x4x128xi32, #tpu.memory_space<hbm>> -> memref<4x128xi32, #tpu.memory_space<hbm>>
      %dma_start3A_114 = arith.constant 0 : i32
      %dma_start3A_115 = arith.constant 0 : i32
      %dma_start3A_116 = tpu.memref_slice %arg3[%add3A, %dma_start3A_114, %dma_start3A_115] : memref<32x4x128xi32, #tpu.memory_space<hbm>> -> memref<1x4x128xi32, #tpu.memory_space<hbm>>
      %dma_start3A_117 = tpu.memref_squeeze %dma_start3A_116 : memref<1x4x128xi32, #tpu.memory_space<hbm>> -> memref<4x128xi32, #tpu.memory_space<hbm>>
      tpu.enqueue_dma source(%dma_start3A_117 : memref<4x128xi32, #tpu.memory_space<hbm>>) target(%arg5 : memref<4x128xi32, #tpu.memory_space<vmem>>) target_semaphore(%run_scoped3A : memref<!tpu.dma_semaphore, #tpu.memory_space<semaphore_mem>>)
      %dma_wait3A_118 = arith.constant 0 : i32
      %dma_wait3A_119 = arith.constant 0 : i32
      %dma_wait3A_120 = tpu.memref_slice %arg3[%add3A, %dma_wait3A_118, %dma_wait3A_119] : memref<32x4x128xi32, #tpu.memory_space<hbm>> -> memref<1x4x128xi32, #tpu.memory_space<hbm>>
      %dma_wait3A_121 = tpu.memref_squeeze %dma_wait3A_120 : memref<1x4x128xi32, #tpu.memory_space<hbm>> -> memref<4x128xi32, #tpu.memory_space<hbm>>
      %dma_wait3A_122 = arith.constant 0 : i32
      %dma_wait3A_123 = arith.constant 0 : i32
      %dma_wait3A_124 = tpu.memref_slice %arg3[%add3A, %dma_wait3A_122, %dma_wait3A_123] : memref<32x4x128xi32, #tpu.memory_space<hbm>> -> memref<1x4x128xi32, #tpu.memory_space<hbm>>
      %dma_wait3A_125 = tpu.memref_squeeze %dma_wait3A_124 : memref<1x4x128xi32, #tpu.memory_space<hbm>> -> memref<4x128xi32, #tpu.memory_space<hbm>>
      tpu.wait_dma2 semaphore(%run_scoped3A : memref<!tpu.dma_semaphore, #tpu.memory_space<semaphore_mem>>) src(%dma_wait3A_125 : memref<4x128xi32, #tpu.memory_space<hbm>>) dst(%arg5 : memref<4x128xi32, #tpu.memory_space<vmem>>)
      tpu.yield
    }) : () -> ()
    %dma_start3A = arith.constant 0 : i32
    %dma_start3A_3 = arith.constant 0 : i32
    %dma_start3A_4 = arith.constant 0 : i32
    %dma_start3A_5 = arith.constant 0 : i32
    %dma_start3A_6 = tpu.memref_slice %arg6[%dma_start3A_4, %dma_start3A_5] : memref<512x32xf32, #tpu.memory_space<vmem>> -> memref<128x32xf32, #tpu.memory_space<vmem>>
    %dma_start3A_7 = arith.constant 0 : i32
    %dma_start3A_8 = tpu.memref_slice %arg5[%dma_start3A, %dma_start3A_7] : memref<4x128xi32, #tpu.memory_space<vmem>> -> memref<1x128xi32, #tpu.memory_space<vmem>>
    %dma_start3A_9 = tpu.memref_squeeze %dma_start3A_8 : memref<1x128xi32, #tpu.memory_space<vmem>> -> memref<128xi32, #tpu.memory_space<vmem>>
    %dma_start3A_10 = arith.constant 0 : i32
    %dma_start3A_11 = arith.constant 0 : i32
    %dma_start3A_12 = tpu.memref_slice %arg2[%dma_start3A_10, %dma_start3A_11] : memref<1000000x32xf32, #tpu.memory_space<hbm>> -> memref<1000000x32xf32, #tpu.memory_space<hbm>>
    %dma_start3A_13 = tpu.memref_slice %arg7[%dma_start3A_3] : memref<4x!tpu.dma_semaphore, #tpu.memory_space<semaphore_mem>> -> memref<1x!tpu.dma_semaphore, #tpu.memory_space<semaphore_mem>>
    %dma_start3A_14 = tpu.memref_squeeze %dma_start3A_13 : memref<1x!tpu.dma_semaphore, #tpu.memory_space<semaphore_mem>> -> memref<!tpu.dma_semaphore, #tpu.memory_space<semaphore_mem>>
    tpu.enqueue_indirect_dma source(%dma_start3A_12 : memref<1000000x32xf32, #tpu.memory_space<hbm>>) target(%dma_start3A_6 : memref<128x32xf32, #tpu.memory_space<vmem>>) offsets(%dma_start3A_9 : memref<128xi32, #tpu.memory_space<vmem>>) semaphore(%dma_start3A_14 : memref<!tpu.dma_semaphore, #tpu.memory_space<semaphore_mem>>)
    %dma_start3A_15 = arith.constant 1 : i32
    %dma_start3A_16 = arith.constant 1 : i32
    %dma_start3A_17 = arith.constant 128 : i32
    %dma_start3A_18 = arith.constant 0 : i32
    %dma_start3A_19 = tpu.memref_slice %arg6[%dma_start3A_17, %dma_start3A_18] : memref<512x32xf32, #tpu.memory_space<vmem>> -> memref<128x32xf32, #tpu.memory_space<vmem>>
    %dma_start3A_20 = arith.constant 0 : i32
    %dma_start3A_21 = tpu.memref_slice %arg5[%dma_start3A_15, %dma_start3A_20] : memref<4x128xi32, #tpu.memory_space<vmem>> -> memref<1x128xi32, #tpu.memory_space<vmem>>
    %dma_start3A_22 = tpu.memref_squeeze %dma_start3A_21 : memref<1x128xi32, #tpu.memory_space<vmem>> -> memref<128xi32, #tpu.memory_space<vmem>>
    %dma_start3A_23 = arith.constant 0 : i32
    %dma_start3A_24 = arith.constant 0 : i32
    %dma_start3A_25 = tpu.memref_slice %arg2[%dma_start3A_23, %dma_start3A_24] : memref<1000000x32xf32, #tpu.memory_space<hbm>> -> memref<1000000x32xf32, #tpu.memory_space<hbm>>
    %dma_start3A_26 = tpu.memref_slice %arg7[%dma_start3A_16] : memref<4x!tpu.dma_semaphore, #tpu.memory_space<semaphore_mem>> -> memref<1x!tpu.dma_semaphore, #tpu.memory_space<semaphore_mem>>
    %dma_start3A_27 = tpu.memref_squeeze %dma_start3A_26 : memref<1x!tpu.dma_semaphore, #tpu.memory_space<semaphore_mem>> -> memref<!tpu.dma_semaphore, #tpu.memory_space<semaphore_mem>>
    tpu.enqueue_indirect_dma source(%dma_start3A_25 : memref<1000000x32xf32, #tpu.memory_space<hbm>>) target(%dma_start3A_19 : memref<128x32xf32, #tpu.memory_space<vmem>>) offsets(%dma_start3A_22 : memref<128xi32, #tpu.memory_space<vmem>>) semaphore(%dma_start3A_27 : memref<!tpu.dma_semaphore, #tpu.memory_space<semaphore_mem>>)
    %dma_start3A_28 = arith.constant 2 : i32
    %dma_start3A_29 = arith.constant 2 : i32
    %dma_start3A_30 = arith.constant 256 : i32
    %dma_start3A_31 = arith.constant 0 : i32
    %dma_start3A_32 = tpu.memref_slice %arg6[%dma_start3A_30, %dma_start3A_31] : memref<512x32xf32, #tpu.memory_space<vmem>> -> memref<128x32xf32, #tpu.memory_space<vmem>>
    %dma_start3A_33 = arith.constant 0 : i32
    %dma_start3A_34 = tpu.memref_slice %arg5[%dma_start3A_28, %dma_start3A_33] : memref<4x128xi32, #tpu.memory_space<vmem>> -> memref<1x128xi32, #tpu.memory_space<vmem>>
    %dma_start3A_35 = tpu.memref_squeeze %dma_start3A_34 : memref<1x128xi32, #tpu.memory_space<vmem>> -> memref<128xi32, #tpu.memory_space<vmem>>
    %dma_start3A_36 = arith.constant 0 : i32
    %dma_start3A_37 = arith.constant 0 : i32
    %dma_start3A_38 = tpu.memref_slice %arg2[%dma_start3A_36, %dma_start3A_37] : memref<1000000x32xf32, #tpu.memory_space<hbm>> -> memref<1000000x32xf32, #tpu.memory_space<hbm>>
    %dma_start3A_39 = tpu.memref_slice %arg7[%dma_start3A_29] : memref<4x!tpu.dma_semaphore, #tpu.memory_space<semaphore_mem>> -> memref<1x!tpu.dma_semaphore, #tpu.memory_space<semaphore_mem>>
    %dma_start3A_40 = tpu.memref_squeeze %dma_start3A_39 : memref<1x!tpu.dma_semaphore, #tpu.memory_space<semaphore_mem>> -> memref<!tpu.dma_semaphore, #tpu.memory_space<semaphore_mem>>
    tpu.enqueue_indirect_dma source(%dma_start3A_38 : memref<1000000x32xf32, #tpu.memory_space<hbm>>) target(%dma_start3A_32 : memref<128x32xf32, #tpu.memory_space<vmem>>) offsets(%dma_start3A_35 : memref<128xi32, #tpu.memory_space<vmem>>) semaphore(%dma_start3A_40 : memref<!tpu.dma_semaphore, #tpu.memory_space<semaphore_mem>>)
    %dma_start3A_41 = arith.constant 3 : i32
    %dma_start3A_42 = arith.constant 3 : i32
    %dma_start3A_43 = arith.constant 384 : i32
    %dma_start3A_44 = arith.constant 0 : i32
    %dma_start3A_45 = tpu.memref_slice %arg6[%dma_start3A_43, %dma_start3A_44] : memref<512x32xf32, #tpu.memory_space<vmem>> -> memref<128x32xf32, #tpu.memory_space<vmem>>
    %dma_start3A_46 = arith.constant 0 : i32
    %dma_start3A_47 = tpu.memref_slice %arg5[%dma_start3A_41, %dma_start3A_46] : memref<4x128xi32, #tpu.memory_space<vmem>> -> memref<1x128xi32, #tpu.memory_space<vmem>>
    %dma_start3A_48 = tpu.memref_squeeze %dma_start3A_47 : memref<1x128xi32, #tpu.memory_space<vmem>> -> memref<128xi32, #tpu.memory_space<vmem>>
    %dma_start3A_49 = arith.constant 0 : i32
    %dma_start3A_50 = arith.constant 0 : i32
    %dma_start3A_51 = tpu.memref_slice %arg2[%dma_start3A_49, %dma_start3A_50] : memref<1000000x32xf32, #tpu.memory_space<hbm>> -> memref<1000000x32xf32, #tpu.memory_space<hbm>>
    %dma_start3A_52 = tpu.memref_slice %arg7[%dma_start3A_42] : memref<4x!tpu.dma_semaphore, #tpu.memory_space<semaphore_mem>> -> memref<1x!tpu.dma_semaphore, #tpu.memory_space<semaphore_mem>>
    %dma_start3A_53 = tpu.memref_squeeze %dma_start3A_52 : memref<1x!tpu.dma_semaphore, #tpu.memory_space<semaphore_mem>> -> memref<!tpu.dma_semaphore, #tpu.memory_space<semaphore_mem>>
    tpu.enqueue_indirect_dma source(%dma_start3A_51 : memref<1000000x32xf32, #tpu.memory_space<hbm>>) target(%dma_start3A_45 : memref<128x32xf32, #tpu.memory_space<vmem>>) offsets(%dma_start3A_48 : memref<128xi32, #tpu.memory_space<vmem>>) semaphore(%dma_start3A_53 : memref<!tpu.dma_semaphore, #tpu.memory_space<semaphore_mem>>)
    %dma_wait3A = arith.constant 0 : i32
    %dma_wait3A_54 = arith.constant 0 : i32
    %dma_wait3A_55 = arith.constant 0 : i32
    %dma_wait3A_56 = arith.constant 0 : i32
    %dma_wait3A_57 = tpu.memref_slice %arg6[%dma_wait3A_55, %dma_wait3A_56] : memref<512x32xf32, #tpu.memory_space<vmem>> -> memref<128x32xf32, #tpu.memory_space<vmem>>
    %dma_wait3A_58 = arith.constant 0 : i32
    %dma_wait3A_59 = tpu.memref_slice %arg5[%dma_wait3A, %dma_wait3A_58] : memref<4x128xi32, #tpu.memory_space<vmem>> -> memref<1x128xi32, #tpu.memory_space<vmem>>
    %dma_wait3A_60 = tpu.memref_squeeze %dma_wait3A_59 : memref<1x128xi32, #tpu.memory_space<vmem>> -> memref<128xi32, #tpu.memory_space<vmem>>
    %dma_wait3A_61 = arith.constant 0 : i32
    %dma_wait3A_62 = arith.constant 0 : i32
    %dma_wait3A_63 = tpu.memref_slice %arg2[%dma_wait3A_61, %dma_wait3A_62] : memref<1000000x32xf32, #tpu.memory_space<hbm>> -> memref<1000000x32xf32, #tpu.memory_space<hbm>>
    %dma_wait3A_64 = tpu.memref_slice %arg7[%dma_wait3A_54] : memref<4x!tpu.dma_semaphore, #tpu.memory_space<semaphore_mem>> -> memref<1x!tpu.dma_semaphore, #tpu.memory_space<semaphore_mem>>
    %dma_wait3A_65 = tpu.memref_squeeze %dma_wait3A_64 : memref<1x!tpu.dma_semaphore, #tpu.memory_space<semaphore_mem>> -> memref<!tpu.dma_semaphore, #tpu.memory_space<semaphore_mem>>
    tpu.wait_indirect_dma semaphore(%dma_wait3A_65 : memref<!tpu.dma_semaphore, #tpu.memory_space<semaphore_mem>>) src(%dma_wait3A_63 : memref<1000000x32xf32, #tpu.memory_space<hbm>>) dst(%dma_wait3A_57 : memref<128x32xf32, #tpu.memory_space<vmem>>)
    %dma_wait3A_66 = arith.constant 1 : i32
    %dma_wait3A_67 = arith.constant 1 : i32
    %dma_wait3A_68 = arith.constant 128 : i32
    %dma_wait3A_69 = arith.constant 0 : i32
    %dma_wait3A_70 = tpu.memref_slice %arg6[%dma_wait3A_68, %dma_wait3A_69] : memref<512x32xf32, #tpu.memory_space<vmem>> -> memref<128x32xf32, #tpu.memory_space<vmem>>
    %dma_wait3A_71 = arith.constant 0 : i32
    %dma_wait3A_72 = tpu.memref_slice %arg5[%dma_wait3A_66, %dma_wait3A_71] : memref<4x128xi32, #tpu.memory_space<vmem>> -> memref<1x128xi32, #tpu.memory_space<vmem>>
    %dma_wait3A_73 = tpu.memref_squeeze %dma_wait3A_72 : memref<1x128xi32, #tpu.memory_space<vmem>> -> memref<128xi32, #tpu.memory_space<vmem>>
    %dma_wait3A_74 = arith.constant 0 : i32
    %dma_wait3A_75 = arith.constant 0 : i32
    %dma_wait3A_76 = tpu.memref_slice %arg2[%dma_wait3A_74, %dma_wait3A_75] : memref<1000000x32xf32, #tpu.memory_space<hbm>> -> memref<1000000x32xf32, #tpu.memory_space<hbm>>
    %dma_wait3A_77 = tpu.memref_slice %arg7[%dma_wait3A_67] : memref<4x!tpu.dma_semaphore, #tpu.memory_space<semaphore_mem>> -> memref<1x!tpu.dma_semaphore, #tpu.memory_space<semaphore_mem>>
    %dma_wait3A_78 = tpu.memref_squeeze %dma_wait3A_77 : memref<1x!tpu.dma_semaphore, #tpu.memory_space<semaphore_mem>> -> memref<!tpu.dma_semaphore, #tpu.memory_space<semaphore_mem>>
    tpu.wait_indirect_dma semaphore(%dma_wait3A_78 : memref<!tpu.dma_semaphore, #tpu.memory_space<semaphore_mem>>) src(%dma_wait3A_76 : memref<1000000x32xf32, #tpu.memory_space<hbm>>) dst(%dma_wait3A_70 : memref<128x32xf32, #tpu.memory_space<vmem>>)
    %dma_wait3A_79 = arith.constant 2 : i32
    %dma_wait3A_80 = arith.constant 2 : i32
    %dma_wait3A_81 = arith.constant 256 : i32
    %dma_wait3A_82 = arith.constant 0 : i32
    %dma_wait3A_83 = tpu.memref_slice %arg6[%dma_wait3A_81, %dma_wait3A_82] : memref<512x32xf32, #tpu.memory_space<vmem>> -> memref<128x32xf32, #tpu.memory_space<vmem>>
    %dma_wait3A_84 = arith.constant 0 : i32
    %dma_wait3A_85 = tpu.memref_slice %arg5[%dma_wait3A_79, %dma_wait3A_84] : memref<4x128xi32, #tpu.memory_space<vmem>> -> memref<1x128xi32, #tpu.memory_space<vmem>>
    %dma_wait3A_86 = tpu.memref_squeeze %dma_wait3A_85 : memref<1x128xi32, #tpu.memory_space<vmem>> -> memref<128xi32, #tpu.memory_space<vmem>>
    %dma_wait3A_87 = arith.constant 0 : i32
    %dma_wait3A_88 = arith.constant 0 : i32
    %dma_wait3A_89 = tpu.memref_slice %arg2[%dma_wait3A_87, %dma_wait3A_88] : memref<1000000x32xf32, #tpu.memory_space<hbm>> -> memref<1000000x32xf32, #tpu.memory_space<hbm>>
    %dma_wait3A_90 = tpu.memref_slice %arg7[%dma_wait3A_80] : memref<4x!tpu.dma_semaphore, #tpu.memory_space<semaphore_mem>> -> memref<1x!tpu.dma_semaphore, #tpu.memory_space<semaphore_mem>>
    %dma_wait3A_91 = tpu.memref_squeeze %dma_wait3A_90 : memref<1x!tpu.dma_semaphore, #tpu.memory_space<semaphore_mem>> -> memref<!tpu.dma_semaphore, #tpu.memory_space<semaphore_mem>>
    tpu.wait_indirect_dma semaphore(%dma_wait3A_91 : memref<!tpu.dma_semaphore, #tpu.memory_space<semaphore_mem>>) src(%dma_wait3A_89 : memref<1000000x32xf32, #tpu.memory_space<hbm>>) dst(%dma_wait3A_83 : memref<128x32xf32, #tpu.memory_space<vmem>>)
    %dma_wait3A_92 = arith.constant 3 : i32
    %dma_wait3A_93 = arith.constant 3 : i32
    %dma_wait3A_94 = arith.constant 384 : i32
    %dma_wait3A_95 = arith.constant 0 : i32
    %dma_wait3A_96 = tpu.memref_slice %arg6[%dma_wait3A_94, %dma_wait3A_95] : memref<512x32xf32, #tpu.memory_space<vmem>> -> memref<128x32xf32, #tpu.memory_space<vmem>>
    %dma_wait3A_97 = arith.constant 0 : i32
    %dma_wait3A_98 = tpu.memref_slice %arg5[%dma_wait3A_92, %dma_wait3A_97] : memref<4x128xi32, #tpu.memory_space<vmem>> -> memref<1x128xi32, #tpu.memory_space<vmem>>
    %dma_wait3A_99 = tpu.memref_squeeze %dma_wait3A_98 : memref<1x128xi32, #tpu.memory_space<vmem>> -> memref<128xi32, #tpu.memory_space<vmem>>
    %dma_wait3A_100 = arith.constant 0 : i32
    %dma_wait3A_101 = arith.constant 0 : i32
    %dma_wait3A_102 = tpu.memref_slice %arg2[%dma_wait3A_100, %dma_wait3A_101] : memref<1000000x32xf32, #tpu.memory_space<hbm>> -> memref<1000000x32xf32, #tpu.memory_space<hbm>>
    %dma_wait3A_103 = tpu.memref_slice %arg7[%dma_wait3A_93] : memref<4x!tpu.dma_semaphore, #tpu.memory_space<semaphore_mem>> -> memref<1x!tpu.dma_semaphore, #tpu.memory_space<semaphore_mem>>
    %dma_wait3A_104 = tpu.memref_squeeze %dma_wait3A_103 : memref<1x!tpu.dma_semaphore, #tpu.memory_space<semaphore_mem>> -> memref<!tpu.dma_semaphore, #tpu.memory_space<semaphore_mem>>
    tpu.wait_indirect_dma semaphore(%dma_wait3A_104 : memref<!tpu.dma_semaphore, #tpu.memory_space<semaphore_mem>>) src(%dma_wait3A_102 : memref<1000000x32xf32, #tpu.memory_space<hbm>>) dst(%dma_wait3A_96 : memref<128x32xf32, #tpu.memory_space<vmem>>)
    %iota3A = tpu.iota {dimensions = array<i32: 0>} : vector<16xi32>
    %scan3A = arith.constant 0 : i32
    %scan3A_105 = arith.constant 0 : i32
    %scan3A_106 = arith.constant 32 : i32
    %scan3A_107 = arith.addi %scan3A_105, %scan3A_106 : i32
    %scan3A_108 = arith.constant 1 : i32
    scf.for %scan3A_110 = %scan3A_105 to %scan3A_107 step %scan3A_108  : i32 {
      %mul3A_111 = arith.constant 16 : i32
      %mul3A_112 = arith.muli %scan3A_110, %mul3A_111 : i32
      %add3A_113 = vector.broadcast %mul3A_112 : i32 to vector<16xi32>
      %add3A_114 = arith.addi %add3A_113, %iota3A : vector<16xi32>
      %broadcast_in_dim3A = arith.constant 0.000000e+00 : f32
      %broadcast_in_dim3A_115 = vector.broadcast %broadcast_in_dim3A : f32 to vector<16xf32>
      %broadcast_in_dim3A_116 = arith.constant 0 : i32
      %broadcast_in_dim3A_117 = vector.broadcast %broadcast_in_dim3A_116 : i32 to vector<16xi32>
      %gather3A = tpu.vector_load_idx %arg6[%add3A_114, %broadcast_in_dim3A_117] : memref<512x32xf32, #tpu.memory_space<vmem>>[vector<16xi32>, vector<16xi32>], vector<16xf32>,
      %mul3A_118 = arith.mulf %gather3A, %gather3A : vector<16xf32>
      %add3A_119 = arith.addf %broadcast_in_dim3A_115, %mul3A_118 : vector<16xf32>
      %broadcast_in_dim3A_120 = arith.constant 1 : i32
      %broadcast_in_dim3A_121 = vector.broadcast %broadcast_in_dim3A_120 : i32 to vector<16xi32>
      %gather3A_122 = tpu.vector_load_idx %arg6[%add3A_114, %broadcast_in_dim3A_121] : memref<512x32xf32, #tpu.memory_space<vmem>>[vector<16xi32>, vector<16xi32>], vector<16xf32>,
      %mul3A_123 = arith.mulf %gather3A_122, %gather3A_122 : vector<16xf32>
      %add3A_124 = arith.addf %add3A_119, %mul3A_123 : vector<16xf32>
      %broadcast_in_dim3A_125 = arith.constant 2 : i32
      %broadcast_in_dim3A_126 = vector.broadcast %broadcast_in_dim3A_125 : i32 to vector<16xi32>
      %gather3A_127 = tpu.vector_load_idx %arg6[%add3A_114, %broadcast_in_dim3A_126] : memref<512x32xf32, #tpu.memory_space<vmem>>[vector<16xi32>, vector<16xi32>], vector<16xf32>,
      %mul3A_128 = arith.mulf %gather3A_127, %gather3A_127 : vector<16xf32>
      %add3A_129 = arith.addf %add3A_124, %mul3A_128 : vector<16xf32>
      %broadcast_in_dim3A_130 = arith.constant 3 : i32
      %broadcast_in_dim3A_131 = vector.broadcast %broadcast_in_dim3A_130 : i32 to vector<16xi32>
      %gather3A_132 = tpu.vector_load_idx %arg6[%add3A_114, %broadcast_in_dim3A_131] : memref<512x32xf32, #tpu.memory_space<vmem>>[vector<16xi32>, vector<16xi32>], vector<16xf32>,
      %mul3A_133 = arith.mulf %gather3A_132, %gather3A_132 : vector<16xf32>
      %add3A_134 = arith.addf %add3A_129, %mul3A_133 : vector<16xf32>
      %broadcast_in_dim3A_135 = arith.constant 4 : i32
      %broadcast_in_dim3A_136 = vector.broadcast %broadcast_in_dim3A_135 : i32 to vector<16xi32>
      %gather3A_137 = tpu.vector_load_idx %arg6[%add3A_114, %broadcast_in_dim3A_136] : memref<512x32xf32, #tpu.memory_space<vmem>>[vector<16xi32>, vector<16xi32>], vector<16xf32>,
      %mul3A_138 = arith.mulf %gather3A_137, %gather3A_137 : vector<16xf32>
      %add3A_139 = arith.addf %add3A_134, %mul3A_138 : vector<16xf32>
      %broadcast_in_dim3A_140 = arith.constant 5 : i32
      %broadcast_in_dim3A_141 = vector.broadcast %broadcast_in_dim3A_140 : i32 to vector<16xi32>
      %gather3A_142 = tpu.vector_load_idx %arg6[%add3A_114, %broadcast_in_dim3A_141] : memref<512x32xf32, #tpu.memory_space<vmem>>[vector<16xi32>, vector<16xi32>], vector<16xf32>,
      %mul3A_143 = arith.mulf %gather3A_142, %gather3A_142 : vector<16xf32>
      %add3A_144 = arith.addf %add3A_139, %mul3A_143 : vector<16xf32>
      %broadcast_in_dim3A_145 = arith.constant 6 : i32
      %broadcast_in_dim3A_146 = vector.broadcast %broadcast_in_dim3A_145 : i32 to vector<16xi32>
      %gather3A_147 = tpu.vector_load_idx %arg6[%add3A_114, %broadcast_in_dim3A_146] : memref<512x32xf32, #tpu.memory_space<vmem>>[vector<16xi32>, vector<16xi32>], vector<16xf32>,
      %mul3A_148 = arith.mulf %gather3A_147, %gather3A_147 : vector<16xf32>
      %add3A_149 = arith.addf %add3A_144, %mul3A_148 : vector<16xf32>
      %broadcast_in_dim3A_150 = arith.constant 7 : i32
      %broadcast_in_dim3A_151 = vector.broadcast %broadcast_in_dim3A_150 : i32 to vector<16xi32>
      %gather3A_152 = tpu.vector_load_idx %arg6[%add3A_114, %broadcast_in_dim3A_151] : memref<512x32xf32, #tpu.memory_space<vmem>>[vector<16xi32>, vector<16xi32>], vector<16xf32>,
      %mul3A_153 = arith.mulf %gather3A_152, %gather3A_152 : vector<16xf32>
      %add3A_154 = arith.addf %add3A_149, %mul3A_153 : vector<16xf32>
      %broadcast_in_dim3A_155 = arith.constant 8 : i32
      %broadcast_in_dim3A_156 = vector.broadcast %broadcast_in_dim3A_155 : i32 to vector<16xi32>
      %gather3A_157 = tpu.vector_load_idx %arg6[%add3A_114, %broadcast_in_dim3A_156] : memref<512x32xf32, #tpu.memory_space<vmem>>[vector<16xi32>, vector<16xi32>], vector<16xf32>,
      %mul3A_158 = arith.mulf %gather3A_157, %gather3A_157 : vector<16xf32>
      %add3A_159 = arith.addf %add3A_154, %mul3A_158 : vector<16xf32>
      %broadcast_in_dim3A_160 = arith.constant 9 : i32
      %broadcast_in_dim3A_161 = vector.broadcast %broadcast_in_dim3A_160 : i32 to vector<16xi32>
      %gather3A_162 = tpu.vector_load_idx %arg6[%add3A_114, %broadcast_in_dim3A_161] : memref<512x32xf32, #tpu.memory_space<vmem>>[vector<16xi32>, vector<16xi32>], vector<16xf32>,
      %mul3A_163 = arith.mulf %gather3A_162, %gather3A_162 : vector<16xf32>
      %add3A_164 = arith.addf %add3A_159, %mul3A_163 : vector<16xf32>
      %broadcast_in_dim3A_165 = arith.constant 10 : i32
      %broadcast_in_dim3A_166 = vector.broadcast %broadcast_in_dim3A_165 : i32 to vector<16xi32>
      %gather3A_167 = tpu.vector_load_idx %arg6[%add3A_114, %broadcast_in_dim3A_166] : memref<512x32xf32, #tpu.memory_space<vmem>>[vector<16xi32>, vector<16xi32>], vector<16xf32>,
      %mul3A_168 = arith.mulf %gather3A_167, %gather3A_167 : vector<16xf32>
      %add3A_169 = arith.addf %add3A_164, %mul3A_168 : vector<16xf32>
      %broadcast_in_dim3A_170 = arith.constant 11 : i32
      %broadcast_in_dim3A_171 = vector.broadcast %broadcast_in_dim3A_170 : i32 to vector<16xi32>
      %gather3A_172 = tpu.vector_load_idx %arg6[%add3A_114, %broadcast_in_dim3A_171] : memref<512x32xf32, #tpu.memory_space<vmem>>[vector<16xi32>, vector<16xi32>], vector<16xf32>,
      %mul3A_173 = arith.mulf %gather3A_172, %gather3A_172 : vector<16xf32>
      %add3A_174 = arith.addf %add3A_169, %mul3A_173 : vector<16xf32>
      %broadcast_in_dim3A_175 = arith.constant 12 : i32
      %broadcast_in_dim3A_176 = vector.broadcast %broadcast_in_dim3A_175 : i32 to vector<16xi32>
      %gather3A_177 = tpu.vector_load_idx %arg6[%add3A_114, %broadcast_in_dim3A_176] : memref<512x32xf32, #tpu.memory_space<vmem>>[vector<16xi32>, vector<16xi32>], vector<16xf32>,
      %mul3A_178 = arith.mulf %gather3A_177, %gather3A_177 : vector<16xf32>
      %add3A_179 = arith.addf %add3A_174, %mul3A_178 : vector<16xf32>
      %broadcast_in_dim3A_180 = arith.constant 13 : i32
      %broadcast_in_dim3A_181 = vector.broadcast %broadcast_in_dim3A_180 : i32 to vector<16xi32>
      %gather3A_182 = tpu.vector_load_idx %arg6[%add3A_114, %broadcast_in_dim3A_181] : memref<512x32xf32, #tpu.memory_space<vmem>>[vector<16xi32>, vector<16xi32>], vector<16xf32>,
      %mul3A_183 = arith.mulf %gather3A_182, %gather3A_182 : vector<16xf32>
      %add3A_184 = arith.addf %add3A_179, %mul3A_183 : vector<16xf32>
      %broadcast_in_dim3A_185 = arith.constant 14 : i32
      %broadcast_in_dim3A_186 = vector.broadcast %broadcast_in_dim3A_185 : i32 to vector<16xi32>
      %gather3A_187 = tpu.vector_load_idx %arg6[%add3A_114, %broadcast_in_dim3A_186] : memref<512x32xf32, #tpu.memory_space<vmem>>[vector<16xi32>, vector<16xi32>], vector<16xf32>,
      %mul3A_188 = arith.mulf %gather3A_187, %gather3A_187 : vector<16xf32>
      %add3A_189 = arith.addf %add3A_184, %mul3A_188 : vector<16xf32>
      %broadcast_in_dim3A_190 = arith.constant 15 : i32
      %broadcast_in_dim3A_191 = vector.broadcast %broadcast_in_dim3A_190 : i32 to vector<16xi32>
      %gather3A_192 = tpu.vector_load_idx %arg6[%add3A_114, %broadcast_in_dim3A_191] : memref<512x32xf32, #tpu.memory_space<vmem>>[vector<16xi32>, vector<16xi32>], vector<16xf32>,
      %mul3A_193 = arith.mulf %gather3A_192, %gather3A_192 : vector<16xf32>
      %add3A_194 = arith.addf %add3A_189, %mul3A_193 : vector<16xf32>
      %broadcast_in_dim3A_195 = arith.constant 16 : i32
      %broadcast_in_dim3A_196 = vector.broadcast %broadcast_in_dim3A_195 : i32 to vector<16xi32>
      %gather3A_197 = tpu.vector_load_idx %arg6[%add3A_114, %broadcast_in_dim3A_196] : memref<512x32xf32, #tpu.memory_space<vmem>>[vector<16xi32>, vector<16xi32>], vector<16xf32>,
      %mul3A_198 = arith.mulf %gather3A_197, %gather3A_197 : vector<16xf32>
      %add3A_199 = arith.addf %add3A_194, %mul3A_198 : vector<16xf32>
      %broadcast_in_dim3A_200 = arith.constant 17 : i32
      %broadcast_in_dim3A_201 = vector.broadcast %broadcast_in_dim3A_200 : i32 to vector<16xi32>
      %gather3A_202 = tpu.vector_load_idx %arg6[%add3A_114, %broadcast_in_dim3A_201] : memref<512x32xf32, #tpu.memory_space<vmem>>[vector<16xi32>, vector<16xi32>], vector<16xf32>,
      %mul3A_203 = arith.mulf %gather3A_202, %gather3A_202 : vector<16xf32>
      %add3A_204 = arith.addf %add3A_199, %mul3A_203 : vector<16xf32>
      %broadcast_in_dim3A_205 = arith.constant 18 : i32
      %broadcast_in_dim3A_206 = vector.broadcast %broadcast_in_dim3A_205 : i32 to vector<16xi32>
      %gather3A_207 = tpu.vector_load_idx %arg6[%add3A_114, %broadcast_in_dim3A_206] : memref<512x32xf32, #tpu.memory_space<vmem>>[vector<16xi32>, vector<16xi32>], vector<16xf32>,
      %mul3A_208 = arith.mulf %gather3A_207, %gather3A_207 : vector<16xf32>
      %add3A_209 = arith.addf %add3A_204, %mul3A_208 : vector<16xf32>
      %broadcast_in_dim3A_210 = arith.constant 19 : i32
      %broadcast_in_dim3A_211 = vector.broadcast %broadcast_in_dim3A_210 : i32 to vector<16xi32>
      %gather3A_212 = tpu.vector_load_idx %arg6[%add3A_114, %broadcast_in_dim3A_211] : memref<512x32xf32, #tpu.memory_space<vmem>>[vector<16xi32>, vector<16xi32>], vector<16xf32>,
      %mul3A_213 = arith.mulf %gather3A_212, %gather3A_212 : vector<16xf32>
      %add3A_214 = arith.addf %add3A_209, %mul3A_213 : vector<16xf32>
      %broadcast_in_dim3A_215 = arith.constant 20 : i32
      %broadcast_in_dim3A_216 = vector.broadcast %broadcast_in_dim3A_215 : i32 to vector<16xi32>
      %gather3A_217 = tpu.vector_load_idx %arg6[%add3A_114, %broadcast_in_dim3A_216] : memref<512x32xf32, #tpu.memory_space<vmem>>[vector<16xi32>, vector<16xi32>], vector<16xf32>,
      %mul3A_218 = arith.mulf %gather3A_217, %gather3A_217 : vector<16xf32>
      %add3A_219 = arith.addf %add3A_214, %mul3A_218 : vector<16xf32>
      %broadcast_in_dim3A_220 = arith.constant 21 : i32
      %broadcast_in_dim3A_221 = vector.broadcast %broadcast_in_dim3A_220 : i32 to vector<16xi32>
      %gather3A_222 = tpu.vector_load_idx %arg6[%add3A_114, %broadcast_in_dim3A_221] : memref<512x32xf32, #tpu.memory_space<vmem>>[vector<16xi32>, vector<16xi32>], vector<16xf32>,
      %mul3A_223 = arith.mulf %gather3A_222, %gather3A_222 : vector<16xf32>
      %add3A_224 = arith.addf %add3A_219, %mul3A_223 : vector<16xf32>
      %broadcast_in_dim3A_225 = arith.constant 22 : i32
      %broadcast_in_dim3A_226 = vector.broadcast %broadcast_in_dim3A_225 : i32 to vector<16xi32>
      %gather3A_227 = tpu.vector_load_idx %arg6[%add3A_114, %broadcast_in_dim3A_226] : memref<512x32xf32, #tpu.memory_space<vmem>>[vector<16xi32>, vector<16xi32>], vector<16xf32>,
      %mul3A_228 = arith.mulf %gather3A_227, %gather3A_227 : vector<16xf32>
      %add3A_229 = arith.addf %add3A_224, %mul3A_228 : vector<16xf32>
      %broadcast_in_dim3A_230 = arith.constant 23 : i32
      %broadcast_in_dim3A_231 = vector.broadcast %broadcast_in_dim3A_230 : i32 to vector<16xi32>
      %gather3A_232 = tpu.vector_load_idx %arg6[%add3A_114, %broadcast_in_dim3A_231] : memref<512x32xf32, #tpu.memory_space<vmem>>[vector<16xi32>, vector<16xi32>], vector<16xf32>,
      %mul3A_233 = arith.mulf %gather3A_232, %gather3A_232 : vector<16xf32>
      %add3A_234 = arith.addf %add3A_229, %mul3A_233 : vector<16xf32>
      %broadcast_in_dim3A_235 = arith.constant 24 : i32
      %broadcast_in_dim3A_236 = vector.broadcast %broadcast_in_dim3A_235 : i32 to vector<16xi32>
      %gather3A_237 = tpu.vector_load_idx %arg6[%add3A_114, %broadcast_in_dim3A_236] : memref<512x32xf32, #tpu.memory_space<vmem>>[vector<16xi32>, vector<16xi32>], vector<16xf32>,
      %mul3A_238 = arith.mulf %gather3A_237, %gather3A_237 : vector<16xf32>
      %add3A_239 = arith.addf %add3A_234, %mul3A_238 : vector<16xf32>
      %broadcast_in_dim3A_240 = arith.constant 25 : i32
      %broadcast_in_dim3A_241 = vector.broadcast %broadcast_in_dim3A_240 : i32 to vector<16xi32>
      %gather3A_242 = tpu.vector_load_idx %arg6[%add3A_114, %broadcast_in_dim3A_241] : memref<512x32xf32, #tpu.memory_space<vmem>>[vector<16xi32>, vector<16xi32>], vector<16xf32>,
      %mul3A_243 = arith.mulf %gather3A_242, %gather3A_242 : vector<16xf32>
      %add3A_244 = arith.addf %add3A_239, %mul3A_243 : vector<16xf32>
      %broadcast_in_dim3A_245 = arith.constant 26 : i32
      %broadcast_in_dim3A_246 = vector.broadcast %broadcast_in_dim3A_245 : i32 to vector<16xi32>
      %gather3A_247 = tpu.vector_load_idx %arg6[%add3A_114, %broadcast_in_dim3A_246] : memref<512x32xf32, #tpu.memory_space<vmem>>[vector<16xi32>, vector<16xi32>], vector<16xf32>,
      %mul3A_248 = arith.mulf %gather3A_247, %gather3A_247 : vector<16xf32>
      %add3A_249 = arith.addf %add3A_244, %mul3A_248 : vector<16xf32>
      %broadcast_in_dim3A_250 = arith.constant 27 : i32
      %broadcast_in_dim3A_251 = vector.broadcast %broadcast_in_dim3A_250 : i32 to vector<16xi32>
      %gather3A_252 = tpu.vector_load_idx %arg6[%add3A_114, %broadcast_in_dim3A_251] : memref<512x32xf32, #tpu.memory_space<vmem>>[vector<16xi32>, vector<16xi32>], vector<16xf32>,
      %mul3A_253 = arith.mulf %gather3A_252, %gather3A_252 : vector<16xf32>
      %add3A_254 = arith.addf %add3A_249, %mul3A_253 : vector<16xf32>
      %broadcast_in_dim3A_255 = arith.constant 28 : i32
      %broadcast_in_dim3A_256 = vector.broadcast %broadcast_in_dim3A_255 : i32 to vector<16xi32>
      %gather3A_257 = tpu.vector_load_idx %arg6[%add3A_114, %broadcast_in_dim3A_256] : memref<512x32xf32, #tpu.memory_space<vmem>>[vector<16xi32>, vector<16xi32>], vector<16xf32>,
      %mul3A_258 = arith.mulf %gather3A_257, %gather3A_257 : vector<16xf32>
      %add3A_259 = arith.addf %add3A_254, %mul3A_258 : vector<16xf32>
      %broadcast_in_dim3A_260 = arith.constant 29 : i32
      %broadcast_in_dim3A_261 = vector.broadcast %broadcast_in_dim3A_260 : i32 to vector<16xi32>
      %gather3A_262 = tpu.vector_load_idx %arg6[%add3A_114, %broadcast_in_dim3A_261] : memref<512x32xf32, #tpu.memory_space<vmem>>[vector<16xi32>, vector<16xi32>], vector<16xf32>,
      %mul3A_263 = arith.mulf %gather3A_262, %gather3A_262 : vector<16xf32>
      %add3A_264 = arith.addf %add3A_259, %mul3A_263 : vector<16xf32>
      %broadcast_in_dim3A_265 = arith.constant 30 : i32
      %broadcast_in_dim3A_266 = vector.broadcast %broadcast_in_dim3A_265 : i32 to vector<16xi32>
      %gather3A_267 = tpu.vector_load_idx %arg6[%add3A_114, %broadcast_in_dim3A_266] : memref<512x32xf32, #tpu.memory_space<vmem>>[vector<16xi32>, vector<16xi32>], vector<16xf32>,
      %mul3A_268 = arith.mulf %gather3A_267, %gather3A_267 : vector<16xf32>
      %add3A_269 = arith.addf %add3A_264, %mul3A_268 : vector<16xf32>
      %broadcast_in_dim3A_270 = arith.constant 31 : i32
      %broadcast_in_dim3A_271 = vector.broadcast %broadcast_in_dim3A_270 : i32 to vector<16xi32>
      %gather3A_272 = tpu.vector_load_idx %arg6[%add3A_114, %broadcast_in_dim3A_271] : memref<512x32xf32, #tpu.memory_space<vmem>>[vector<16xi32>, vector<16xi32>], vector<16xf32>,
      %mul3A_273 = arith.mulf %gather3A_272, %gather3A_272 : vector<16xf32>
      %add3A_274 = arith.addf %add3A_269, %mul3A_273 : vector<16xf32>
      %max3A = arith.constant 1.000000e-24 : f32
      %max3A_275 = vector.broadcast %max3A : f32 to vector<16xf32>
      %max3A_276 = arith.maximumf %add3A_274, %max3A_275 : vector<16xf32>
      %bitcast3A = vector.bitcast %max3A_276 : vector<16xf32> to vector<16xi32>
      %shift_right_arithmetic3A = arith.constant 1 : i32
      %shift_right_arithmetic3A_277 = vector.broadcast %shift_right_arithmetic3A : i32 to vector<16xi32>
      %shift_right_arithmetic3A_278 = arith.shrsi %bitcast3A, %shift_right_arithmetic3A_277 : vector<16xi32>
      %sub3A = arith.constant 1597463007 : i32
      %sub3A_279 = vector.broadcast %sub3A : i32 to vector<16xi32>
      %sub3A_280 = arith.subi %sub3A_279, %shift_right_arithmetic3A_278 : vector<16xi32>
      %bitcast3A_281 = vector.bitcast %sub3A_280 : vector<16xi32> to vector<16xf32>
      %mul3A_282 = arith.constant 5.000000e-01 : f32
      %mul3A_283 = vector.broadcast %mul3A_282 : f32 to vector<16xf32>
      %mul3A_284 = arith.mulf %max3A_276, %mul3A_283 : vector<16xf32>
      %mul3A_285 = arith.mulf %mul3A_284, %bitcast3A_281 : vector<16xf32>
      %mul3A_286 = arith.mulf %mul3A_285, %bitcast3A_281 : vector<16xf32>
      %sub3A_287 = arith.constant 1.500000e+00 : f32
      %sub3A_288 = vector.broadcast %sub3A_287 : f32 to vector<16xf32>
      %sub3A_289 = arith.subf %sub3A_288, %mul3A_286 : vector<16xf32>
      %mul3A_290 = arith.mulf %bitcast3A_281, %sub3A_289 : vector<16xf32>
      %mul3A_291 = arith.mulf %mul3A_284, %mul3A_290 : vector<16xf32>
      %mul3A_292 = arith.mulf %mul3A_291, %mul3A_290 : vector<16xf32>
      %sub3A_293 = arith.constant 1.500000e+00 : f32
      %sub3A_294 = vector.broadcast %sub3A_293 : f32 to vector<16xf32>
      %sub3A_295 = arith.subf %sub3A_294, %mul3A_292 : vector<16xf32>
      %mul3A_296 = arith.mulf %mul3A_290, %sub3A_295 : vector<16xf32>
      %mul3A_297 = arith.mulf %mul3A_284, %mul3A_296 : vector<16xf32>
      %mul3A_298 = arith.mulf %mul3A_297, %mul3A_296 : vector<16xf32>
      %sub3A_299 = arith.constant 1.500000e+00 : f32
      %sub3A_300 = vector.broadcast %sub3A_299 : f32 to vector<16xf32>
      %sub3A_301 = arith.subf %sub3A_300, %mul3A_298 : vector<16xf32>
      %mul3A_302 = arith.mulf %mul3A_296, %sub3A_301 : vector<16xf32>
      %broadcast_in_dim3A_303 = arith.constant 0 : i32
      %broadcast_in_dim3A_304 = vector.broadcast %broadcast_in_dim3A_303 : i32 to vector<16xi32>
      %mul3A_305 = arith.mulf %gather3A, %mul3A_302 : vector<16xf32>
      tpu.vector_store_idx %arg6[%add3A_114, %broadcast_in_dim3A_304], %mul3A_305 : memref<512x32xf32, #tpu.memory_space<vmem>>[vector<16xi32>, vector<16xi32>], vector<16xf32>,
      %broadcast_in_dim3A_306 = arith.constant 1 : i32
      %broadcast_in_dim3A_307 = vector.broadcast %broadcast_in_dim3A_306 : i32 to vector<16xi32>
      %mul3A_308 = arith.mulf %gather3A_122, %mul3A_302 : vector<16xf32>
      tpu.vector_store_idx %arg6[%add3A_114, %broadcast_in_dim3A_307], %mul3A_308 : memref<512x32xf32, #tpu.memory_space<vmem>>[vector<16xi32>, vector<16xi32>], vector<16xf32>,
      %broadcast_in_dim3A_309 = arith.constant 2 : i32
      %broadcast_in_dim3A_310 = vector.broadcast %broadcast_in_dim3A_309 : i32 to vector<16xi32>
      %mul3A_311 = arith.mulf %gather3A_127, %mul3A_302 : vector<16xf32>
      tpu.vector_store_idx %arg6[%add3A_114, %broadcast_in_dim3A_310], %mul3A_311 : memref<512x32xf32, #tpu.memory_space<vmem>>[vector<16xi32>, vector<16xi32>], vector<16xf32>,
      %broadcast_in_dim3A_312 = arith.constant 3 : i32
      %broadcast_in_dim3A_313 = vector.broadcast %broadcast_in_dim3A_312 : i32 to vector<16xi32>
      %mul3A_314 = arith.mulf %gather3A_132, %mul3A_302 : vector<16xf32>
      tpu.vector_store_idx %arg6[%add3A_114, %broadcast_in_dim3A_313], %mul3A_314 : memref<512x32xf32, #tpu.memory_space<vmem>>[vector<16xi32>, vector<16xi32>], vector<16xf32>,
      %broadcast_in_dim3A_315 = arith.constant 4 : i32
      %broadcast_in_dim3A_316 = vector.broadcast %broadcast_in_dim3A_315 : i32 to vector<16xi32>
      %mul3A_317 = arith.mulf %gather3A_137, %mul3A_302 : vector<16xf32>
      tpu.vector_store_idx %arg6[%add3A_114, %broadcast_in_dim3A_316], %mul3A_317 : memref<512x32xf32, #tpu.memory_space<vmem>>[vector<16xi32>, vector<16xi32>], vector<16xf32>,
      %broadcast_in_dim3A_318 = arith.constant 5 : i32
      %broadcast_in_dim3A_319 = vector.broadcast %broadcast_in_dim3A_318 : i32 to vector<16xi32>
      %mul3A_320 = arith.mulf %gather3A_142, %mul3A_302 : vector<16xf32>
      tpu.vector_store_idx %arg6[%add3A_114, %broadcast_in_dim3A_319], %mul3A_320 : memref<512x32xf32, #tpu.memory_space<vmem>>[vector<16xi32>, vector<16xi32>], vector<16xf32>,
      %broadcast_in_dim3A_321 = arith.constant 6 : i32
      %broadcast_in_dim3A_322 = vector.broadcast %broadcast_in_dim3A_321 : i32 to vector<16xi32>
      %mul3A_323 = arith.mulf %gather3A_147, %mul3A_302 : vector<16xf32>
      tpu.vector_store_idx %arg6[%add3A_114, %broadcast_in_dim3A_322], %mul3A_323 : memref<512x32xf32, #tpu.memory_space<vmem>>[vector<16xi32>, vector<16xi32>], vector<16xf32>,
      %broadcast_in_dim3A_324 = arith.constant 7 : i32
      %broadcast_in_dim3A_325 = vector.broadcast %broadcast_in_dim3A_324 : i32 to vector<16xi32>
      %mul3A_326 = arith.mulf %gather3A_152, %mul3A_302 : vector<16xf32>
      tpu.vector_store_idx %arg6[%add3A_114, %broadcast_in_dim3A_325], %mul3A_326 : memref<512x32xf32, #tpu.memory_space<vmem>>[vector<16xi32>, vector<16xi32>], vector<16xf32>,
      %broadcast_in_dim3A_327 = arith.constant 8 : i32
      %broadcast_in_dim3A_328 = vector.broadcast %broadcast_in_dim3A_327 : i32 to vector<16xi32>
      %mul3A_329 = arith.mulf %gather3A_157, %mul3A_302 : vector<16xf32>
      tpu.vector_store_idx %arg6[%add3A_114, %broadcast_in_dim3A_328], %mul3A_329 : memref<512x32xf32, #tpu.memory_space<vmem>>[vector<16xi32>, vector<16xi32>], vector<16xf32>,
      %broadcast_in_dim3A_330 = arith.constant 9 : i32
      %broadcast_in_dim3A_331 = vector.broadcast %broadcast_in_dim3A_330 : i32 to vector<16xi32>
      %mul3A_332 = arith.mulf %gather3A_162, %mul3A_302 : vector<16xf32>
      tpu.vector_store_idx %arg6[%add3A_114, %broadcast_in_dim3A_331], %mul3A_332 : memref<512x32xf32, #tpu.memory_space<vmem>>[vector<16xi32>, vector<16xi32>], vector<16xf32>,
      %broadcast_in_dim3A_333 = arith.constant 10 : i32
      %broadcast_in_dim3A_334 = vector.broadcast %broadcast_in_dim3A_333 : i32 to vector<16xi32>
      %mul3A_335 = arith.mulf %gather3A_167, %mul3A_302 : vector<16xf32>
      tpu.vector_store_idx %arg6[%add3A_114, %broadcast_in_dim3A_334], %mul3A_335 : memref<512x32xf32, #tpu.memory_space<vmem>>[vector<16xi32>, vector<16xi32>], vector<16xf32>,
      %broadcast_in_dim3A_336 = arith.constant 11 : i32
      %broadcast_in_dim3A_337 = vector.broadcast %broadcast_in_dim3A_336 : i32 to vector<16xi32>
      %mul3A_338 = arith.mulf %gather3A_172, %mul3A_302 : vector<16xf32>
      tpu.vector_store_idx %arg6[%add3A_114, %broadcast_in_dim3A_337], %mul3A_338 : memref<512x32xf32, #tpu.memory_space<vmem>>[vector<16xi32>, vector<16xi32>], vector<16xf32>,
      %broadcast_in_dim3A_339 = arith.constant 12 : i32
      %broadcast_in_dim3A_340 = vector.broadcast %broadcast_in_dim3A_339 : i32 to vector<16xi32>
      %mul3A_341 = arith.mulf %gather3A_177, %mul3A_302 : vector<16xf32>
      tpu.vector_store_idx %arg6[%add3A_114, %broadcast_in_dim3A_340], %mul3A_341 : memref<512x32xf32, #tpu.memory_space<vmem>>[vector<16xi32>, vector<16xi32>], vector<16xf32>,
      %broadcast_in_dim3A_342 = arith.constant 13 : i32
      %broadcast_in_dim3A_343 = vector.broadcast %broadcast_in_dim3A_342 : i32 to vector<16xi32>
      %mul3A_344 = arith.mulf %gather3A_182, %mul3A_302 : vector<16xf32>
      tpu.vector_store_idx %arg6[%add3A_114, %broadcast_in_dim3A_343], %mul3A_344 : memref<512x32xf32, #tpu.memory_space<vmem>>[vector<16xi32>, vector<16xi32>], vector<16xf32>,
      %broadcast_in_dim3A_345 = arith.constant 14 : i32
      %broadcast_in_dim3A_346 = vector.broadcast %broadcast_in_dim3A_345 : i32 to vector<16xi32>
      %mul3A_347 = arith.mulf %gather3A_187, %mul3A_302 : vector<16xf32>
      tpu.vector_store_idx %arg6[%add3A_114, %broadcast_in_dim3A_346], %mul3A_347 : memref<512x32xf32, #tpu.memory_space<vmem>>[vector<16xi32>, vector<16xi32>], vector<16xf32>,
      %broadcast_in_dim3A_348 = arith.constant 15 : i32
      %broadcast_in_dim3A_349 = vector.broadcast %broadcast_in_dim3A_348 : i32 to vector<16xi32>
      %mul3A_350 = arith.mulf %gather3A_192, %mul3A_302 : vector<16xf32>
      tpu.vector_store_idx %arg6[%add3A_114, %broadcast_in_dim3A_349], %mul3A_350 : memref<512x32xf32, #tpu.memory_space<vmem>>[vector<16xi32>, vector<16xi32>], vector<16xf32>,
      %broadcast_in_dim3A_351 = arith.constant 16 : i32
      %broadcast_in_dim3A_352 = vector.broadcast %broadcast_in_dim3A_351 : i32 to vector<16xi32>
      %mul3A_353 = arith.mulf %gather3A_197, %mul3A_302 : vector<16xf32>
      tpu.vector_store_idx %arg6[%add3A_114, %broadcast_in_dim3A_352], %mul3A_353 : memref<512x32xf32, #tpu.memory_space<vmem>>[vector<16xi32>, vector<16xi32>], vector<16xf32>,
      %broadcast_in_dim3A_354 = arith.constant 17 : i32
      %broadcast_in_dim3A_355 = vector.broadcast %broadcast_in_dim3A_354 : i32 to vector<16xi32>
      %mul3A_356 = arith.mulf %gather3A_202, %mul3A_302 : vector<16xf32>
      tpu.vector_store_idx %arg6[%add3A_114, %broadcast_in_dim3A_355], %mul3A_356 : memref<512x32xf32, #tpu.memory_space<vmem>>[vector<16xi32>, vector<16xi32>], vector<16xf32>,
      %broadcast_in_dim3A_357 = arith.constant 18 : i32
      %broadcast_in_dim3A_358 = vector.broadcast %broadcast_in_dim3A_357 : i32 to vector<16xi32>
      %mul3A_359 = arith.mulf %gather3A_207, %mul3A_302 : vector<16xf32>
      tpu.vector_store_idx %arg6[%add3A_114, %broadcast_in_dim3A_358], %mul3A_359 : memref<512x32xf32, #tpu.memory_space<vmem>>[vector<16xi32>, vector<16xi32>], vector<16xf32>,
      %broadcast_in_dim3A_360 = arith.constant 19 : i32
      %broadcast_in_dim3A_361 = vector.broadcast %broadcast_in_dim3A_360 : i32 to vector<16xi32>
      %mul3A_362 = arith.mulf %gather3A_212, %mul3A_302 : vector<16xf32>
      tpu.vector_store_idx %arg6[%add3A_114, %broadcast_in_dim3A_361], %mul3A_362 : memref<512x32xf32, #tpu.memory_space<vmem>>[vector<16xi32>, vector<16xi32>], vector<16xf32>,
      %broadcast_in_dim3A_363 = arith.constant 20 : i32
      %broadcast_in_dim3A_364 = vector.broadcast %broadcast_in_dim3A_363 : i32 to vector<16xi32>
      %mul3A_365 = arith.mulf %gather3A_217, %mul3A_302 : vector<16xf32>
      tpu.vector_store_idx %arg6[%add3A_114, %broadcast_in_dim3A_364], %mul3A_365 : memref<512x32xf32, #tpu.memory_space<vmem>>[vector<16xi32>, vector<16xi32>], vector<16xf32>,
      %broadcast_in_dim3A_366 = arith.constant 21 : i32
      %broadcast_in_dim3A_367 = vector.broadcast %broadcast_in_dim3A_366 : i32 to vector<16xi32>
      %mul3A_368 = arith.mulf %gather3A_222, %mul3A_302 : vector<16xf32>
      tpu.vector_store_idx %arg6[%add3A_114, %broadcast_in_dim3A_367], %mul3A_368 : memref<512x32xf32, #tpu.memory_space<vmem>>[vector<16xi32>, vector<16xi32>], vector<16xf32>,
      %broadcast_in_dim3A_369 = arith.constant 22 : i32
      %broadcast_in_dim3A_370 = vector.broadcast %broadcast_in_dim3A_369 : i32 to vector<16xi32>
      %mul3A_371 = arith.mulf %gather3A_227, %mul3A_302 : vector<16xf32>
      tpu.vector_store_idx %arg6[%add3A_114, %broadcast_in_dim3A_370], %mul3A_371 : memref<512x32xf32, #tpu.memory_space<vmem>>[vector<16xi32>, vector<16xi32>], vector<16xf32>,
      %broadcast_in_dim3A_372 = arith.constant 23 : i32
      %broadcast_in_dim3A_373 = vector.broadcast %broadcast_in_dim3A_372 : i32 to vector<16xi32>
      %mul3A_374 = arith.mulf %gather3A_232, %mul3A_302 : vector<16xf32>
      tpu.vector_store_idx %arg6[%add3A_114, %broadcast_in_dim3A_373], %mul3A_374 : memref<512x32xf32, #tpu.memory_space<vmem>>[vector<16xi32>, vector<16xi32>], vector<16xf32>,
      %broadcast_in_dim3A_375 = arith.constant 24 : i32
      %broadcast_in_dim3A_376 = vector.broadcast %broadcast_in_dim3A_375 : i32 to vector<16xi32>
      %mul3A_377 = arith.mulf %gather3A_237, %mul3A_302 : vector<16xf32>
      tpu.vector_store_idx %arg6[%add3A_114, %broadcast_in_dim3A_376], %mul3A_377 : memref<512x32xf32, #tpu.memory_space<vmem>>[vector<16xi32>, vector<16xi32>], vector<16xf32>,
      %broadcast_in_dim3A_378 = arith.constant 25 : i32
      %broadcast_in_dim3A_379 = vector.broadcast %broadcast_in_dim3A_378 : i32 to vector<16xi32>
      %mul3A_380 = arith.mulf %gather3A_242, %mul3A_302 : vector<16xf32>
      tpu.vector_store_idx %arg6[%add3A_114, %broadcast_in_dim3A_379], %mul3A_380 : memref<512x32xf32, #tpu.memory_space<vmem>>[vector<16xi32>, vector<16xi32>], vector<16xf32>,
      %broadcast_in_dim3A_381 = arith.constant 26 : i32
      %broadcast_in_dim3A_382 = vector.broadcast %broadcast_in_dim3A_381 : i32 to vector<16xi32>
      %mul3A_383 = arith.mulf %gather3A_247, %mul3A_302 : vector<16xf32>
      tpu.vector_store_idx %arg6[%add3A_114, %broadcast_in_dim3A_382], %mul3A_383 : memref<512x32xf32, #tpu.memory_space<vmem>>[vector<16xi32>, vector<16xi32>], vector<16xf32>,
      %broadcast_in_dim3A_384 = arith.constant 27 : i32
      %broadcast_in_dim3A_385 = vector.broadcast %broadcast_in_dim3A_384 : i32 to vector<16xi32>
      %mul3A_386 = arith.mulf %gather3A_252, %mul3A_302 : vector<16xf32>
      tpu.vector_store_idx %arg6[%add3A_114, %broadcast_in_dim3A_385], %mul3A_386 : memref<512x32xf32, #tpu.memory_space<vmem>>[vector<16xi32>, vector<16xi32>], vector<16xf32>,
      %broadcast_in_dim3A_387 = arith.constant 28 : i32
      %broadcast_in_dim3A_388 = vector.broadcast %broadcast_in_dim3A_387 : i32 to vector<16xi32>
      %mul3A_389 = arith.mulf %gather3A_257, %mul3A_302 : vector<16xf32>
      tpu.vector_store_idx %arg6[%add3A_114, %broadcast_in_dim3A_388], %mul3A_389 : memref<512x32xf32, #tpu.memory_space<vmem>>[vector<16xi32>, vector<16xi32>], vector<16xf32>,
      %broadcast_in_dim3A_390 = arith.constant 29 : i32
      %broadcast_in_dim3A_391 = vector.broadcast %broadcast_in_dim3A_390 : i32 to vector<16xi32>
      %mul3A_392 = arith.mulf %gather3A_262, %mul3A_302 : vector<16xf32>
      tpu.vector_store_idx %arg6[%add3A_114, %broadcast_in_dim3A_391], %mul3A_392 : memref<512x32xf32, #tpu.memory_space<vmem>>[vector<16xi32>, vector<16xi32>], vector<16xf32>,
      %broadcast_in_dim3A_393 = arith.constant 30 : i32
      %broadcast_in_dim3A_394 = vector.broadcast %broadcast_in_dim3A_393 : i32 to vector<16xi32>
      %mul3A_395 = arith.mulf %gather3A_267, %mul3A_302 : vector<16xf32>
      tpu.vector_store_idx %arg6[%add3A_114, %broadcast_in_dim3A_394], %mul3A_395 : memref<512x32xf32, #tpu.memory_space<vmem>>[vector<16xi32>, vector<16xi32>], vector<16xf32>,
      %broadcast_in_dim3A_396 = arith.constant 31 : i32
      %broadcast_in_dim3A_397 = vector.broadcast %broadcast_in_dim3A_396 : i32 to vector<16xi32>
      %mul3A_398 = arith.mulf %gather3A_272, %mul3A_302 : vector<16xf32>
      tpu.vector_store_idx %arg6[%add3A_114, %broadcast_in_dim3A_397], %mul3A_398 : memref<512x32xf32, #tpu.memory_space<vmem>>[vector<16xi32>, vector<16xi32>], vector<16xf32>,
    }
    %scan3A_109 = arith.constant 32 : i32
    "tpu.region"() ({
      %run_scoped3A = tpu.sem_alloc : memref<!tpu.dma_semaphore, #tpu.memory_space<semaphore_mem>>
      %dma_start3A_110 = arith.constant 0 : i32
      %dma_start3A_111 = tpu.memref_slice %arg4[%mul3A_2, %dma_start3A_110] : memref<16384x32xf32, #tpu.memory_space<hbm>> -> memref<512x32xf32, #tpu.memory_space<hbm>>
      %dma_start3A_112 = arith.constant 0 : i32
      %dma_start3A_113 = tpu.memref_slice %arg4[%mul3A_2, %dma_start3A_112] : memref<16384x32xf32, #tpu.memory_space<hbm>> -> memref<512x32xf32, #tpu.memory_space<hbm>>
      tpu.enqueue_dma source(%arg6 : memref<512x32xf32, #tpu.memory_space<vmem>>) target(%dma_start3A_113 : memref<512x32xf32, #tpu.memory_space<hbm>>) target_semaphore(%run_scoped3A : memref<!tpu.dma_semaphore, #tpu.memory_space<semaphore_mem>>)
      %dma_wait3A_114 = arith.constant 0 : i32
      %dma_wait3A_115 = tpu.memref_slice %arg4[%mul3A_2, %dma_wait3A_114] : memref<16384x32xf32, #tpu.memory_space<hbm>> -> memref<512x32xf32, #tpu.memory_space<hbm>>
      %dma_wait3A_116 = arith.constant 0 : i32
      %dma_wait3A_117 = tpu.memref_slice %arg4[%mul3A_2, %dma_wait3A_116] : memref<16384x32xf32, #tpu.memory_space<hbm>> -> memref<512x32xf32, #tpu.memory_space<hbm>>
      tpu.wait_dma2 semaphore(%run_scoped3A : memref<!tpu.dma_semaphore, #tpu.memory_space<semaphore_mem>>) src(%arg6 : memref<512x32xf32, #tpu.memory_space<vmem>>) dst(%dma_wait3A_117 : memref<512x32xf32, #tpu.memory_space<hbm>>)
      tpu.yield
    }) : () -> ()
    return
  }
}

</mosaic_0001>

<sc_bundles>
// kernel: kernel.3.cloned.1.call-start
scs
__scs_entry_jumppad:
0x0: {  	(pc) =	sbr.rel $0x88, $3  }
0x1: {  	(tag) =	ssettag $0x0;
	lr =	simm.s32 $0x1  }
0x2: {  	[smem:$0x3F9F] =	sst lr;
	_ =	strace $0xD0000000  }
0x3: {  	_ = 	snop  }
0x4: {  	_ = 	snop  }
0x5: {  	_ = 	snop  }
0x6: {  	_ = 	snop  }
0x7: {  	_ = 	snop  }
__scs_overlays_trampoline_lowered:
0x8: {  	[smem:$0x3FAE] =	sst s0  }
0x9: {  	[smem:$0x3FAF] =	sst s1  }
0xa: {  	[smem:$0x3FB0] =	sst s2  }
0xb: {  	[smem:$0x3FB1] =	sst s3  }
0xc: {  	[smem:$0x3FB2] =	sst s4  }
0xd: {  	[smem:$0x3FB3] =	sst s5  }
0xe: {  	[smem:$0x3FB4] =	sst s6  }
0xf: {  	[smem:$0x3FB5] =	sst s7  }
0x10: {  	[smem:$0x3FB6] =	sst s8  }
0x11: {  	[smem:$0x3FB7] =	sst s9;
	s0 =	simm.s32 @!p0 $0x0  }
0x12: {  	s1 =	sld [smem:$0x3F9D];
	s0 =	simm.s32 @p0 $0x1  }
0x13: {  	[smem:$0x3FB8] =	sst s0;
	s0 =	simm.s32 @!p1 $0x0  }
0x14: {  	s2 =	sld [smem:$0x3F9C];
	s0 =	simm.s32 @p1 $0x1  }
0x15: {  	[smem:$0x3FB9] =	sst s0;
	s0 =	simm.s32 @!p2 $0x0  }
0x16: {  	s3 =	sld [smem:$0x3FDB];
	s0 =	simm.s32 @p2 $0x1  }
0x17: {  	s4 =	simm.s32 $0x1BF5;
	[smem:$0x3FBB] =	sst s0  }
0x18: {  	s0 =	sld [smem:$0x3F9E];
	_ =	swait.ge [sflag:s4], $0x0  }
0x19: {  	s7 =	sld [smem:$0x3F9F]  }
0x1a: {  	s8 =	sadd.s32 $0xFFFFE003, lr  }
0x1b: {  	s9 =	sadd.s32 $0xFFFFFEF7, lr;
	s5 =	simm.s32 $0xFFFFFFFF;
	p2 =	slt.u32 s8, $0xFFFFF086  }
0x1c: {  	p1 =	slt.u32 s9, $0xF7A;
	s5 =	simm.s32 @!p2 $0x0  }
0x1d: {  	s5 =	simm.s32 @p1 $0x1;
	p0 =	seq.s32 s7, s2  }
0x1e: {  	s7 =	smul.u32 @!p0 $0xF7A, s2;
	p2 =	seq.s32 @!p0 s5, $0x0  }
0x1f: {  	s9 =	smul.u32 $0xF7A, s1;
	s8 =	simm.s32 @!p0 $0x1BF5;
	p2 =	por !p2, p0  }
0x20: {  	[sflag:s8] =	ssyncset.s32 @!p0 $0xFFFFF086;
	s6 =	sadd.s32 @!p0 s3, s7;
	s7 =	simm.s32 @!p0 $0x108  }
0x21: {  	s3 =	sadd.s32 s3, s9;
	s6 =	sadd.s32 @!p0 $0x88, s6;
	s7 =	simm.s32 @p2 $0x1082  }
0x22: {  	[simem:s7], [sflag:s8] =	dma.local @!p0 [hbm:s6], $0xF7A  }
0x23: {  	s9 =	sor.u32 $0xD0000000, s2;
	s6 =	simm.s32 $0x108;
	_ =	swait.ge @!p0 [sflag:s8], $0x0  }
0x24: {  	s3 =	sadd.s32 $0x88, s3;
	s6 =	simm.s32 @!p1 $0x1082;
	[sflag:s4] =	ssyncset.s32 $0xFFFFF086  }
0x25: {  	[simem:s6], [sflag:s4] =	dma.local [hbm:s3], $0xF7A  }
0x26: {  	[smem:$0x3F9F] =	sst s1;
	(tag) =	ssettag s2;
	_ =	strace s9  }
0x27: {  	s1 =	sld [smem:$0x3FAF]  }
0x28: {  	s2 =	sld [smem:$0x3FB0]  }
0x29: {  	s4 =	sld [smem:$0x3FB2]  }
0x2a: {  	p0 =	seq.s32 s5, $0x0;
	s5 =	sld [smem:$0x3FB3]  }
0x2b: {  	s6 =	sld [smem:$0x3FB4]  }
0x2c: {  	s7 =	sld [smem:$0x3FB5]  }
0x2d: {  	s3 =	simm.s32 $0x108;
	s8 =	sld [smem:$0x3FB6]  }
0x2e: {  	s3 =	simm.s32 @!p0 $0x1082;
	s9 =	sld [smem:$0x3FB7]  }
0x2f: {  	lr =	sadd.s32 s0, s3;
	s0 =	sld [smem:$0x3FAE]  }
0x30: {  	s3 =	sld [smem:$0x3FB1]  }
0x31: {  	[smem:$0x3FBA] =	sst s10  }
0x32: {  	s10 =	sld [smem:$0x3FB8];
	_ =	sdelay $0x3  }
0x33: {  	p0 =	seq.s32 s10, $0x1;
	s10 =	sld [smem:$0x3FBA];
	_ =	sdelay $0x3  }
0x34: {  	[smem:$0x3FBA] =	sst s10  }
0x35: {  	s10 =	sld [smem:$0x3FB9];
	_ =	sdelay $0x3  }
0x36: {  	p1 =	seq.s32 s10, $0x1;
	s10 =	sld [smem:$0x3FBA];
	_ =	sdelay $0x3  }
0x37: {  	[smem:$0x3FBA] =	sst s10  }
0x38: {  	s10 =	sld [smem:$0x3FBB]  }
0x39: {  	_ = 	snop;
	(pc) =	sbr.ind lr, $3  }
0x3a: {  	_ = 	snop  }
0x3b: {  	_ = 	snop  }
0x3c: {  	p2 =	seq.s32 s10, $0x1;
	s10 =	sld [smem:$0x3FBA]  }
0x3d: {  	_ =	shalt  }
0x3e: {  	_ =	shalt  }
0x3f: {  	_ =	shalt  }
0x40: {  	_ =	shalt  }
0x41: {  	_ =	shalt  }
0x42: {  	_ =	shalt  }
0x43: {  	_ =	shalt  }
0x44: {  	_ =	shalt  }
0x45: {  	_ =	shalt  }
0x46: {  	_ =	shalt  }
0x47: {  	_ =	shalt  }
0x48: {  	_ =	shalt  }
0x49: {  	_ =	shalt  }
0x4a: {  	_ =	shalt  }
0x4b: {  	_ =	shalt  }
0x4c: {  	_ =	shalt  }
0x4d: {  	_ =	shalt  }
0x4e: {  	_ =	shalt  }
0x4f: {  	_ =	shalt  }
0x50: {  	_ =	shalt  }
0x51: {  	_ =	shalt  }
0x52: {  	_ =	shalt  }
0x53: {  	_ =	shalt  }
0x54: {  	_ =	shalt  }
0x55: {  	_ =	shalt  }
0x56: {  	_ =	shalt  }
0x57: {  	_ =	shalt  }
0x58: {  	_ =	shalt  }
0x59: {  	_ =	shalt  }
0x5a: {  	_ =	shalt  }
0x5b: {  	_ =	shalt  }
0x5c: {  	_ =	shalt  }
0x5d: {  	_ =	shalt  }
0x5e: {  	_ =	shalt  }
0x5f: {  	_ =	shalt  }
0x60: {  	_ =	shalt  }
0x61: {  	_ =	shalt  }
0x62: {  	_ =	shalt  }
0x63: {  	_ =	shalt  }
0x64: {  	_ =	shalt  }
0x65: {  	_ =	shalt  }
0x66: {  	_ =	shalt  }
0x67: {  	_ =	shalt  }
0x68: {  	_ =	shalt  }
0x69: {  	_ =	shalt  }
0x6a: {  	_ =	shalt  }
0x6b: {  	_ =	shalt  }
0x6c: {  	_ =	shalt  }
0x6d: {  	_ =	shalt  }
0x6e: {  	_ =	shalt  }
0x6f: {  	_ =	shalt  }
0x70: {  	_ =	shalt  }
0x71: {  	_ =	shalt  }
0x72: {  	_ =	shalt  }
0x73: {  	_ =	shalt  }
0x74: {  	_ =	shalt  }
0x75: {  	_ =	shalt  }
0x76: {  	_ =	shalt  }
0x77: {  	_ =	shalt  }
0x78: {  	_ =	shalt  }
0x79: {  	_ =	shalt  }
0x7a: {  	_ =	shalt  }
0x7b: {  	_ =	shalt  }
0x7c: {  	_ =	shalt  }
0x7d: {  	_ =	shalt  }
0x7e: {  	_ =	shalt  }
0x7f: {  	_ =	shalt  }
0x80: {  	_ =	shalt  }
0x81: {  	_ =	shalt  }
0x82: {  	_ =	shalt  }
0x83: {  	_ =	shalt  }
0x84: {  	_ =	shalt  }
0x85: {  	_ =	shalt  }
0x86: {  	_ =	shalt  }
0x87: {  	_ =	shalt  }
.Lfunc_end0:
.L_simem_size_0:
called_computation_lowered:
.L_overlay_start_0:
0x88: {  	s2 =	sld [smem:$0x3FD9]  }
0x89: {  	s3 =	sld [smem:$0x3FFE];
	_ =	sdelay $0x1  }
0x8a: {  	s1 =	srdreg.scid  }
0x8b: {  	s0 =	sand.u32 $0x1, s1  }
0x8c: {  	s17 =	sshll.u32 s0, $0xA;
	s2 =	sadd.s32 s3, s2  }
0x8d: {  	s2 =	sadd.s32 s2, s17  }
0x8e: {  	[smem:$0x3FC6] =	sst s2  }
0x8f: {  	_ = 	snop  }
0x90: {  	s2 =	sld [smem:$0x3FC9]  }
0x91: {  	s18 =	sld [smem:$0x3FD0];
	(tm) =	ssettm $0x1  }
0x92: {  	s4 =	sld [smem:$0x3FFB];
	_ =	sdelay $0x3  }
0x93: {  	_ =	strace s4  }
0x94: {  	s4 =	sld [smem:$0x3FFC];
	_ =	sdelay $0x3  }
0x95: {  	_ =	strace s4  }
0x96: {  	s4 =	sld [smem:$0x3FFD];
	_ =	sdelay $0x3  }
0x97: {  	_ =	strace s4  }
0x98: {  	_ =	strace $0x8FFFFFFF  }
0x99: {  	s19 =	sld [smem:$0x3FDB];
	_ =	sdelay $0x1  }
0x9a: {  	s5 =	simm.s32 $_scs_section_size  }
0x9b: {  	s6 =	simm.s32 $_size__tile_overlayer_lowered;
	s7 =	simm.s32 $_tile_overlayer_lowered  }
0x9c: {  	s22 =	simm.s32 $0x1BFF;
	s21 =	sshll.u32 s7, $0x1;
	s4 =	sadd.s32 s5, s19  }
0x9d: {  	s8 =	simm.s32 $0x0;
	s20 =	sshll.u32 s6, $0x1;
	s6 =	sadd.s32 s21, s4  }
0x9e: {  	[timem:s8], [sflag:s22] =	dma.local [hbm:s6], s20  }
0x9f: {  	_ =	swait.ge [sflag:s22], s20  }
0xa0: {  	s5 =	ssub.s32 $0x0, s20;
	[sflag:s22] =	ssyncset.done $0x0  }
0xa1: {  	[sflag:s22] =	ssyncadd.s32 s5;
	_ =	sdelay $0x1  }
0xa2: {  	s23 =	simm.s32 $0x1B8B  }
0xa3: {  	_ =	swait.ge [sflag:s23], $0x1  }
0xa4: {  	[sflag:s23] =	ssyncset.done $0x0  }
0xa5: {  	s25 =	simm.s32 $0x1B8E;
	s24 =	sld [smem:$0x3FFE];
	[sflag:s23] =	ssyncadd.s32 $0xFFFFFFFF  }
0xa6: {  	s26 =	simm.s32 $execute0_lowered;
	[smem:$0x3FD2] =	sst s25  }
0xa7: {  	s6 =	sshll.u32 s26, $0x1;
	_ =	strace $0x80000046;
	[dreg:$0x1] =	wrdreg $0xFFFFFFFF  }
0xa8: {  	s28 =	simm.s32 $_size_execute0_lowered;
	s4 =	sadd.s32 s4, s6;
	[dreg:$0x0] =	wrdreg $0x0  }
0xa9: {  	s6 =	sshll.u32 s28, $0x1;
	[dreg:$0x2] =	wrdreg s4  }
0xaa: {  	[dreg:$0x3] =	wrdreg s6  }
0xab: {  	[dreg:$0x4] =	wrdreg $0xC0  }
0xac: {  	_ =	task [dreg:s8], $0x5FFFF  }
0xad: {  	[dreg:$0x1] =	wrdreg $0xFFFFFFFF  }
0xae: {  	[dreg:$0x0] =	wrdreg $0x60  }
0xaf: {  	[dreg:$0x2] =	wrdreg s24  }
0xb0: {  	[dreg:$0x3] =	wrdreg s2  }
0xb1: {  	[dreg:$0x4] =	wrdreg s18  }
0xb2: {  	[dreg:$0x5] =	wrdreg $0x9  }
0xb3: {  	_ =	task.clear_ibuf [dreg:s8], $0x6FFFF;
	_ =	strace $0x90000046  }
0xb4: {  	s29 =	simm.s32 $0x9;
	_ =	strace $0x80000048  }
0xb5: {  	_ =	swait.ge [sflag:s29], $0x1  }
0xb6: {  	[sflag:s29] =	ssyncadd.s32 $0xFFFFFFFF  }
0xb7: {  	_ =	strace $0x90000048  }
0xb8: {  	_ =	sfence  }
0xb9: {  	s30 =	sld [smem:$0x0];
	_ =	sdelay $0x2  }
0xba: {  	s31 =	sshll.u32 s1, $0xD;
	s1 =	sshrl.u32 s1, $0x2  }
0xbb: {  	s3 =	sand.u32 $0x4000, s31;
	s1 =	sadd.s32 s1, s30  }
0xbc: {  	s0 =	sor.u32 s3, s0;
	s1 =	sshll.u32 s1, $0x11  }
0xbd: {  	s0 =	sor.u32 s1, s0  }
0xbe: {  	s0 =	sadd.s32 $0x8F2B, s0  }
0xbf: {  	[sflag:s0] =	ssyncadd.remote.s32 $0x1  }
0xc0: {  	_ =	sfence.sel $0xFFFF  }
0xc1: {  	[dreg:$0x0] =	wrdreg $0xFFFFFFFF;
	(pc) =	sbr.abs _section_cstart, $3  }
0xc2: {  	[dreg:$0x1] =	wrdreg $0xFFFFFFFF  }
0xc3: {  	_ =	task.clear_ibuf [dreg:s8], $0x2FFFF;
	_ =	strace $0x9FFFFFFF  }
0xc4: {  	(tm) =	ssettm $0x7FFFFFFF  }
0xc5: {  	_ =	shalt  }
tec
execute0_lowered:
.L_overlay_start_1:
0x0: {  	(tag) =	ssettag $0x1  }
0x1: {  	s3 =	rddreg [dreg:$0x0]  }
0x2: {  	s4 =	rddreg [dreg:$0x1]  }
0x3: {  	s5 =	rddreg [dreg:$0x2]  }
0x4: {  	s0 =	rddreg [dreg:$0x3];
	s6 =	srdreg.scid  }
0x5: {  	s2 =	simm.s32 $0x0;
	s1 =	stileid.u32;
	s10 =	simm.s32 $0x1200  }
0x6: {  	s11 =	simm.s32 $0x100;
	s12 =	simm.s32 $0x2200;
	s13 =	simm.s32 $0x180  }
0x7: {  	s14 =	simm.s32 $0x3200;
	s15 =	simm.s32 $0x1;
	s16 =	simm.s32 $0x2  }
0x8: {  	s17 =	simm.s32 $0x3;
	s18 =	simm.s32 $0x4;
	s19 =	simm.s32 $0x0  }
0x9: {  	s6 =	sand.u32 $0x1, s6;
	[smem:$0x7FF] =	sst s2;
	s7 =	sshll.u32 s1, $0xA  }
0xa: {  	s3 =	sadd.s32 $0xF42800, s3;
	s8 =	sshll.u32 s6, $0x9;
	s6 =	ssub.s32 $0x2, s6  }
0xb: {  	v0 =	vlaneseq.u32;
	_ =	strace $0x80000047;
	s7 =	sor.u32 s8, s7;
	s31 =	sshrl.u32 s6, $0x1  }
0xc: {  	v1 =	vmul.u32 $0x20, v0;
	s8 =	simm.s32 $0x80;
	s9 =	sshrl.u32 s7, $0x3;
	s7 =	sshll.u32 s7, $0x2  }
0xd: {  	s6 =	ssub.s32 s6, s31;
	s4 =	sadd.s32 s4, s9;
	s5 =	sadd.s32 s5, s7  }
0xe: {  	[tilespmem:$0x1FFF0] =	vst v1;
	s6 =	smax.u32 s6, $0x1;
	s7 =	simm.s32 $0x5;
	s9 =	simm.s32 $0x200  }
.LBB2_1:
0xf: {  	[tilespmem:s2], [sflag:$0x5] =	stream.linear.gather [hbm4b:s4+s2], $0x200, $0x38;
	[tilespmem:$0x4200] =	vst v63  }
0x10: {  	_ =	swait.ge [sflag:s7], $0x200  }
0x11: {  	[sflag:s7] =	ssyncset.done $0x0  }
0x12: {  	[sflag:s7] =	ssyncadd.s32 $0xFFFFFE00  }
0x13: {  	[tilespmem:s9], [sflag:$0x1] =	stream.indirect.gather [hbm4b:s3+s8], $0x20, s2, s8, $0xb8;
	[tilespmem:$0x4200] =	vst v63  }
0x14: {  	_ = 	snop  }
0x15: {  	[tilespmem:s10], [sflag:$0x2] =	stream.indirect.gather [hbm4b:s3+s8], $0x20, s8, s8, $0xb8;
	[tilespmem:$0x4200] =	vst v63  }
0x16: {  	_ = 	snop  }
0x17: {  	[tilespmem:s12], [sflag:$0x3] =	stream.indirect.gather [hbm4b:s3+s8], $0x20, s11, s8, $0xb8;
	[tilespmem:$0x4200] =	vst v63  }
0x18: {  	_ = 	snop  }
0x19: {  	[tilespmem:s14], [sflag:$0x4] =	stream.indirect.gather [hbm4b:s3+s8], $0x20, s13, s8, $0xb8;
	[tilespmem:$0x4200] =	vst v63  }
0x1a: {  	_ =	swait.ge [sflag:s15], $0x1000  }
0x1b: {  	[sflag:s15] =	ssyncset.done $0x0  }
0x1c: {  	[sflag:s15] =	ssyncadd.s32 $0xFFFFF000  }
0x1d: {  	_ =	swait.ge [sflag:s16], $0x1000  }
0x1e: {  	v0 =	vmov s2;
	[sflag:s16] =	ssyncset.done $0x0  }
0x1f: {  	v0 =	vshll.u32 v0, $0x5;
	[sflag:s16] =	ssyncadd.s32 $0xFFFFF000  }
0x20: {  	v0 =	vor.u32 v1, v0;
	_ =	swait.ge [sflag:s17], $0x1000  }
0x21: {  	v2 =	vor.u32 $0x1, v0;
	[sflag:s17] =	ssyncset.done $0x0  }
0x22: {  	[tilespmem:$0x1FFB0] =	vst v2;
	[sflag:s17] =	ssyncadd.s32 $0xFFFFF000  }
0x23: {  	_ =	swait.ge [sflag:s18], $0x1000  }
0x24: {  	v3 =	vor.u32 $0x2, v0;
	[sflag:s18] =	ssyncset.done $0x0  }
0x25: {  	[sflag:s18] =	ssyncadd.s32 $0xFFFFF000  }
0x26: {  	v4 =	vor.u32 $0x3, v0;
	v11 =	vld.idx.msk [tilespmem:v0+s9+$0x0], $0xffff  }
0x27: {  	v12 =	vld.idx.msk [tilespmem:v2+s9+$0x0], $0xffff  }
0x28: {  	v5 =	vor.u32 $0x4, v0  }
0x29: {  	v13 =	vld.idx.msk [tilespmem:v3+s9+$0x0], $0xffff  }
0x2a: {  	v2 =	vor.u32 $0x5, v0  }
0x2b: {  	v14 =	vld.idx.msk [tilespmem:v4+s9+$0x0], $0xffff  }
0x2c: {  	v7 =	vor.u32 $0x6, v0;
	[tilespmem:$0x1FFD0] =	vst v4;
	v4 =	vmul.f32 v11, v11;
	v9 =	vmul.f32 v12, v12  }
0x2d: {  	v16 =	vld.idx.msk [tilespmem:v5+s9+$0x0], $0xffff  }
0x2e: {  	v8 =	vor.u32 $0x7, v0;
	v10 =	vmul.f32 v13, v13;
	v4 =	vadd.f32 v9, v4  }
0x2f: {  	v18 =	vld.idx.msk [tilespmem:v2+s9+$0x0], $0xffff  }
0x30: {  	v15 =	vmul.f32 v14, v14;
	v9 =	vor.u32 $0x8, v0;
	v4 =	vadd.f32 v10, v4  }
0x31: {  	v20 =	vld.idx.msk [tilespmem:v7+s9+$0x0], $0xffff  }
0x32: {  	v17 =	vmul.f32 v16, v16;
	v10 =	vor.u32 $0x9, v0;
	v4 =	vadd.f32 v15, v4  }
0x33: {  	v22 =	vld.idx.msk [tilespmem:v8+s9+$0x0], $0xffff  }
0x34: {  	v19 =	vmul.f32 v18, v18;
	v15 =	vor.u32 $0xA, v0;
	v4 =	vadd.f32 v17, v4  }
0x35: {  	v24 =	vld.idx.msk [tilespmem:v9+s9+$0x0], $0xffff  }
0x36: {  	v21 =	vmul.f32 v20, v20;
	v17 =	vor.u32 $0xB, v0;
	v4 =	vadd.f32 v19, v4  }
0x37: {  	v26 =	vld.idx.msk [tilespmem:v10+s9+$0x0], $0xffff  }
0x38: {  	v23 =	vmul.f32 v22, v22;
	v19 =	vor.u32 $0xC, v0;
	v4 =	vadd.f32 v21, v4  }
0x39: {  	v27 =	vld.idx.msk [tilespmem:v15+s9+$0x0], $0xffff  }
0x3a: {  	v21 =	vor.u32 $0xD, v0;
	v25 =	vmul.f32 v24, v24;
	v4 =	vadd.f32 v23, v4  }
0x3b: {  	v28 =	vld.idx.msk [tilespmem:v17+s9+$0x0], $0xffff  }
0x3c: {  	v23 =	vor.u32 $0xE, v0;
	v29 =	vmul.f32 v26, v26;
	v4 =	vadd.f32 v25, v4  }
0x3d: {  	v30 =	vld.idx.msk [tilespmem:v19+s9+$0x0], $0xffff  }
0x3e: {  	v25 =	vor.u32 $0xF, v0;
	v50 =	vmul.f32 v27, v27;
	v4 =	vadd.f32 v29, v4  }
0x3f: {  	v31 =	vld.idx.msk [tilespmem:v21+s9+$0x0], $0xffff  }
0x40: {  	v32 =	vor.u32 $0x10, v0;
	v51 =	vmul.f32 v28, v28;
	v4 =	vadd.f32 v50, v4  }
0x41: {  	v33 =	vld.idx.msk [tilespmem:v23+s9+$0x0], $0xffff  }
0x42: {  	v34 =	vor.u32 $0x11, v0;
	v52 =	vmul.f32 v30, v30;
	v4 =	vadd.f32 v51, v4  }
0x43: {  	v35 =	vld.idx.msk [tilespmem:v25+s9+$0x0], $0xffff  }
0x44: {  	v36 =	vor.u32 $0x12, v0;
	v53 =	vmul.f32 v31, v31;
	v4 =	vadd.f32 v52, v4  }
0x45: {  	v37 =	vld.idx.msk [tilespmem:v32+s9+$0x0], $0xffff  }
0x46: {  	v38 =	vor.u32 $0x13, v0;
	v54 =	vmul.f32 v33, v33;
	v4 =	vadd.f32 v53, v4  }
0x47: {  	v39 =	vld.idx.msk [tilespmem:v34+s9+$0x0], $0xffff  }
0x48: {  	v40 =	vor.u32 $0x14, v0;
	v55 =	vmul.f32 v35, v35;
	v4 =	vadd.f32 v54, v4  }
0x49: {  	v41 =	vld.idx.msk [tilespmem:v36+s9+$0x0], $0xffff  }
0x4a: {  	v42 =	vor.u32 $0x15, v0;
	v56 =	vmul.f32 v37, v37;
	v4 =	vadd.f32 v55, v4  }
0x4b: {  	v43 =	vld.idx.msk [tilespmem:v38+s9+$0x0], $0xffff  }
0x4c: {  	v44 =	vor.u32 $0x16, v0;
	v57 =	vmul.f32 v39, v39;
	v4 =	vadd.f32 v56, v4  }
0x4d: {  	v45 =	vld.idx.msk [tilespmem:v40+s9+$0x0], $0xffff  }
0x4e: {  	v46 =	vor.u32 $0x17, v0;
	v58 =	vmul.f32 v41, v41;
	v4 =	vadd.f32 v57, v4  }
0x4f: {  	v47 =	vld.idx.msk [tilespmem:v42+s9+$0x0], $0xffff  }
0x50: {  	v48 =	vor.u32 $0x18, v0;
	v59 =	vmul.f32 v43, v43;
	v4 =	vadd.f32 v58, v4  }
0x51: {  	v49 =	vld.idx.msk [tilespmem:v44+s9+$0x0], $0xffff  }
0x52: {  	v60 =	vmul.f32 v45, v45;
	v50 =	vor.u32 $0x19, v0;
	v4 =	vadd.f32 v59, v4  }
0x53: {  	v51 =	vld.idx.msk [tilespmem:v46+s9+$0x0], $0xffff  }
0x54: {  	v61 =	vmul.f32 v47, v47;
	v52 =	vor.u32 $0x1A, v0;
	v4 =	vadd.f32 v60, v4  }
0x55: {  	v53 =	vld.idx.msk [tilespmem:v48+s9+$0x0], $0xffff  }
0x56: {  	v62 =	vmul.f32 v49, v49;
	v54 =	vor.u32 $0x1B, v0;
	v4 =	vadd.f32 v61, v4  }
0x57: {  	v55 =	vld.idx.msk [tilespmem:v50+s9+$0x0], $0xffff  }
0x58: {  	v63 =	vmul.f32 v51, v51;
	v56 =	vor.u32 $0x1C, v0;
	v4 =	vadd.f32 v62, v4  }
0x59: {  	v57 =	vld.idx.msk [tilespmem:v52+s9+$0x0], $0xffff  }
0x5a: {  	v29 =	vmul.f32 v53, v53;
	v58 =	vor.u32 $0x1D, v0;
	v4 =	vadd.f32 v63, v4  }
0x5b: {  	v59 =	vld.idx.msk [tilespmem:v54+s9+$0x0], $0xffff  }
0x5c: {  	v60 =	vor.u32 $0x1E, v0;
	v61 =	vmul.f32 v55, v55;
	v29 =	vadd.f32 v29, v4  }
0x5d: {  	v62 =	vld.idx.msk [tilespmem:v56+s9+$0x0], $0xffff  }
0x5e: {  	v4 =	vor.u32 $0x1F, v0;
	v29 =	vadd.f32 v61, v29;
	v61 =	vmul.f32 v57, v57  }
0x5f: {  	v63 =	vld.idx.msk [tilespmem:v58+s9+$0x0], $0xffff  }
0x60: {  	v29 =	vadd.f32 v61, v29;
	v61 =	vmul.f32 v59, v59  }
0x61: {  	[tilespmem:$0x1FFC0] =	vst v3;
	v3 =	vmov v1;
	v1 =	vld.idx.msk [tilespmem:v60+s9+$0x0], $0xffff  }
0x62: {  	v29 =	vadd.f32 v61, v29;
	v61 =	vmul.f32 v62, v62  }
0x63: {  	v6 =	vld.idx.msk [tilespmem:v4+s9+$0x0], $0xffff  }
0x64: {  	v29 =	vadd.f32 v61, v29;
	v61 =	vmul.f32 v63, v63;
	_ =	sdelay $0x1  }
0x65: {  	v29 =	vadd.f32 v61, v29;
	v61 =	vmul.f32 v1, v1;
	_ =	sdelay $0x1  }
0x66: {  	v29 =	vadd.f32 v61, v29;
	v61 =	vmul.f32 v6, v6;
	_ =	sdelay $0x1  }
0x67: {  	v29 =	vadd.f32 v61, v29;
	_ =	sdelay $0x1  }
0x68: {  	v29 =	vmax.f32 v29, $1.000000020e-24  }
0x69: {  	v61 =	vshra.s32 v29, $0x1;
	v29 =	vmul.f32 $5.000000000e-01, v29  }
0x6a: {  	v61 =	vsub.s32 $0x5F3759DF, v61  }
0x6b: {  	[tilespmem:$0x1FFE0] =	vst v2;
	v2 =	vmul.f32 v61, v29;
	_ =	sdelay $0x1  }
0x6c: {  	v2 =	vmul.f32 v61, v2;
	_ =	sdelay $0x1  }
0x6d: {  	v2 =	vsub.f32 $1.500000000e+00, v2;
	_ =	sdelay $0x1  }
0x6e: {  	v2 =	vmul.f32 v61, v2;
	_ =	sdelay $0x1  }
0x6f: {  	v61 =	vmul.f32 v2, v29;
	_ =	sdelay $0x1  }
0x70: {  	v61 =	vmul.f32 v61, v2;
	_ =	sdelay $0x1  }
0x71: {  	v61 =	vsub.f32 $1.500000000e+00, v61;
	_ =	sdelay $0x1  }
0x72: {  	v2 =	vmul.f32 v61, v2;
	_ =	sdelay $0x1  }
0x73: {  	v29 =	vmul.f32 v2, v29;
	_ =	sdelay $0x1  }
0x74: {  	v29 =	vmul.f32 v29, v2;
	_ =	sdelay $0x1  }
0x75: {  	v29 =	vsub.f32 $1.500000000e+00, v29;
	_ =	sdelay $0x1  }
0x76: {  	v29 =	vmul.f32 v29, v2;
	_ =	sdelay $0x1  }
0x77: {  	v2 =	vmul.f32 v29, v11;
	_ =	sdelay $0x1  }
0x78: {  	[tilespmem:v0+s9+$0x0] =	vst.idx.msk $0xffff, v2;
	v2 =	vld [tilespmem:$0x1FFB0];
	_ =	sdelay $0x5  }
0x79: {  	v12 =	vmul.f32 v29, v12;
	_ =	sdelay $0x1  }
0x7a: {  	[tilespmem:v2+s9+$0x0] =	vst.idx.msk $0xffff, v12;
	v2 =	vmul.f32 v29, v14;
	v14 =	vld [tilespmem:$0x1FFC0]  }
0x7b: {  	v61 =	vld [tilespmem:$0x1FFD0];
	_ =	sdelay $0x4  }
0x7c: {  	v0 =	vmul.f32 v29, v13;
	_ =	sdelay $0x1  }
0x7d: {  	[tilespmem:v14+s9+$0x0] =	vst.idx.msk $0xffff, v0;
	v0 =	vmul.f32 v29, v16  }
0x7e: {  	[tilespmem:v61+s9+$0x0] =	vst.idx.msk $0xffff, v2  }
0x7f: {  	[tilespmem:v5+s9+$0x0] =	vst.idx.msk $0xffff, v0;
	v5 =	vld [tilespmem:$0x1FFE0];
	_ =	sdelay $0x5  }
0x80: {  	v2 =	vmul.f32 v29, v18  }
0x81: {  	v0 =	vmul.f32 v29, v20  }
0x82: {  	[tilespmem:v5+s9+$0x0] =	vst.idx.msk $0xffff, v2;
	v2 =	vmul.f32 v29, v22  }
0x83: {  	[tilespmem:v7+s9+$0x0] =	vst.idx.msk $0xffff, v0;
	v0 =	vmul.f32 v29, v24  }
0x84: {  	[tilespmem:v8+s9+$0x0] =	vst.idx.msk $0xffff, v2;
	v2 =	vmul.f32 v29, v26  }
0x85: {  	[tilespmem:v9+s9+$0x0] =	vst.idx.msk $0xffff, v0;
	v0 =	vmul.f32 v29, v27  }
0x86: {  	[tilespmem:v10+s9+$0x0] =	vst.idx.msk $0xffff, v2;
	v2 =	vmul.f32 v29, v28  }
0x87: {  	[tilespmem:v15+s9+$0x0] =	vst.idx.msk $0xffff, v0;
	v0 =	vmul.f32 v29, v30  }
0x88: {  	[tilespmem:v17+s9+$0x0] =	vst.idx.msk $0xffff, v2;
	v2 =	vmul.f32 v29, v31  }
0x89: {  	[tilespmem:v19+s9+$0x0] =	vst.idx.msk $0xffff, v0;
	v0 =	vmul.f32 v29, v33  }
0x8a: {  	[tilespmem:v21+s9+$0x0] =	vst.idx.msk $0xffff, v2;
	v2 =	vmul.f32 v29, v35  }
0x8b: {  	[tilespmem:v23+s9+$0x0] =	vst.idx.msk $0xffff, v0;
	v0 =	vmul.f32 v29, v37  }
0x8c: {  	[tilespmem:v25+s9+$0x0] =	vst.idx.msk $0xffff, v2;
	v2 =	vmul.f32 v29, v39  }
0x8d: {  	[tilespmem:v32+s9+$0x0] =	vst.idx.msk $0xffff, v0;
	v0 =	vmul.f32 v29, v41  }
0x8e: {  	[tilespmem:v34+s9+$0x0] =	vst.idx.msk $0xffff, v2;
	v2 =	vmul.f32 v29, v43  }
0x8f: {  	[tilespmem:v36+s9+$0x0] =	vst.idx.msk $0xffff, v0;
	v0 =	vmul.f32 v29, v45  }
0x90: {  	[tilespmem:v38+s9+$0x0] =	vst.idx.msk $0xffff, v2;
	v2 =	vmul.f32 v29, v47  }
0x91: {  	[tilespmem:v40+s9+$0x0] =	vst.idx.msk $0xffff, v0;
	v0 =	vmul.f32 v29, v49  }
0x92: {  	[tilespmem:v42+s9+$0x0] =	vst.idx.msk $0xffff, v2;
	v2 =	vmul.f32 v29, v51  }
0x93: {  	[tilespmem:v44+s9+$0x0] =	vst.idx.msk $0xffff, v0;
	v0 =	vmul.f32 v29, v53  }
0x94: {  	[tilespmem:v46+s9+$0x0] =	vst.idx.msk $0xffff, v2;
	v2 =	vmul.f32 v29, v55  }
0x95: {  	[tilespmem:v48+s9+$0x0] =	vst.idx.msk $0xffff, v0;
	v0 =	vmul.f32 v29, v57  }
0x96: {  	[tilespmem:v50+s9+$0x0] =	vst.idx.msk $0xffff, v2;
	v2 =	vmul.f32 v29, v59  }
0x97: {  	s20 =	simm.s32 $0x10;
	[tilespmem:v52+s9+$0x0] =	vst.idx.msk $0xffff, v0;
	v0 =	vmul.f32 v29, v62  }
0x98: {  	v5 =	vmul.f32 v29, v63;
	[tilespmem:v54+s9+$0x0] =	vst.idx.msk $0xffff, v2;
	v2 =	vmov s20  }
0x99: {  	[tilespmem:v56+s9+$0x0] =	vst.idx.msk $0xffff, v0;
	v0 =	vshll.u32 v2, $0x5;
	v2 =	vmul.f32 v29, v1  }
0x9a: {  	[tilespmem:v58+s9+$0x0] =	vst.idx.msk $0xffff, v5;
	v1 =	vor.u32 v3, v0  }
0x9b: {  	s20 =	simm.s32 $0x20;
	v0 =	vmul.f32 v29, v6;
	[tilespmem:v60+s9+$0x0] =	vst.idx.msk $0xffff, v2;
	v7 =	vor.u32 $0x1, v1;
	v3 =	vor.u32 $0x2, v1  }
.LBB2_2:
0x9c: {  	_ =	sdelay $0x1  }
0x9d: {  	[tilespmem:v4+s9+$0x0] =	vst.idx.msk $0xffff, v0  }
0x9e: {  	v0 =	vor.u32 $0x3, v1;
	v11 =	vld.idx.msk [tilespmem:v1+s9+$0x0], $0xffff  }
0x9f: {  	v13 =	vld.idx.msk [tilespmem:v7+s9+$0x0], $0xffff  }
0xa0: {  	v2 =	vor.u32 $0x4, v1  }
0xa1: {  	v16 =	vld.idx.msk [tilespmem:v3+s9+$0x0], $0xffff  }
0xa2: {  	v5 =	vor.u32 $0x5, v1  }
0xa3: {  	v14 =	vld.idx.msk [tilespmem:v0+s9+$0x0], $0xffff  }
0xa4: {  	v8 =	vor.u32 $0x6, v1;
	[tilespmem:$0x1FF80] =	vst v0;
	v0 =	vmul.f32 v11, v11;
	v4 =	vmul.f32 v13, v13  }
0xa5: {  	v17 =	vld.idx.msk [tilespmem:v2+s9+$0x0], $0xffff  }
0xa6: {  	v9 =	vor.u32 $0x7, v1;
	v0 =	vadd.f32 v4, v0;
	v4 =	vmul.f32 v16, v16  }
0xa7: {  	v19 =	vld.idx.msk [tilespmem:v5+s9+$0x0], $0xffff  }
0xa8: {  	v10 =	vor.u32 $0x8, v1;
	v0 =	vadd.f32 v4, v0;
	v4 =	vmul.f32 v14, v14  }
0xa9: {  	v21 =	vld.idx.msk [tilespmem:v8+s9+$0x0], $0xffff  }
0xaa: {  	v12 =	vor.u32 $0x9, v1;
	v0 =	vadd.f32 v4, v0;
	v4 =	vmul.f32 v17, v17  }
0xab: {  	v23 =	vld.idx.msk [tilespmem:v9+s9+$0x0], $0xffff  }
0xac: {  	v15 =	vor.u32 $0xA, v1;
	v0 =	vadd.f32 v4, v0;
	v4 =	vmul.f32 v19, v19  }
0xad: {  	v25 =	vld.idx.msk [tilespmem:v10+s9+$0x0], $0xffff  }
0xae: {  	v18 =	vor.u32 $0xB, v1;
	v0 =	vadd.f32 v4, v0;
	v4 =	vmul.f32 v21, v21  }
0xaf: {  	v27 =	vld.idx.msk [tilespmem:v12+s9+$0x0], $0xffff  }
0xb0: {  	v20 =	vor.u32 $0xC, v1;
	v0 =	vadd.f32 v4, v0;
	v4 =	vmul.f32 v23, v23  }
0xb1: {  	v29 =	vld.idx.msk [tilespmem:v15+s9+$0x0], $0xffff  }
0xb2: {  	v22 =	vor.u32 $0xD, v1;
	v0 =	vadd.f32 v4, v0;
	v4 =	vmul.f32 v25, v25  }
0xb3: {  	v31 =	vld.idx.msk [tilespmem:v18+s9+$0x0], $0xffff  }
0xb4: {  	v24 =	vor.u32 $0xE, v1;
	v0 =	vadd.f32 v4, v0;
	v4 =	vmul.f32 v27, v27  }
0xb5: {  	v33 =	vld.idx.msk [tilespmem:v20+s9+$0x0], $0xffff  }
0xb6: {  	v26 =	vor.u32 $0xF, v1;
	v0 =	vadd.f32 v4, v0;
	v4 =	vmul.f32 v29, v29  }
0xb7: {  	v35 =	vld.idx.msk [tilespmem:v22+s9+$0x0], $0xffff  }
0xb8: {  	v28 =	vor.u32 $0x10, v1;
	v0 =	vadd.f32 v4, v0;
	v4 =	vmul.f32 v31, v31  }
0xb9: {  	v37 =	vld.idx.msk [tilespmem:v24+s9+$0x0], $0xffff  }
0xba: {  	v30 =	vor.u32 $0x11, v1;
	v0 =	vadd.f32 v4, v0;
	v4 =	vmul.f32 v33, v33  }
0xbb: {  	v39 =	vld.idx.msk [tilespmem:v26+s9+$0x0], $0xffff  }
0xbc: {  	v32 =	vor.u32 $0x12, v1;
	v0 =	vadd.f32 v4, v0;
	v4 =	vmul.f32 v35, v35  }
0xbd: {  	v41 =	vld.idx.msk [tilespmem:v28+s9+$0x0], $0xffff  }
0xbe: {  	v34 =	vor.u32 $0x13, v1;
	v0 =	vadd.f32 v4, v0;
	v4 =	vmul.f32 v37, v37  }
0xbf: {  	v43 =	vld.idx.msk [tilespmem:v30+s9+$0x0], $0xffff  }
0xc0: {  	v36 =	vor.u32 $0x14, v1;
	v0 =	vadd.f32 v4, v0;
	v4 =	vmul.f32 v39, v39  }
0xc1: {  	v46 =	vld.idx.msk [tilespmem:v32+s9+$0x0], $0xffff  }
0xc2: {  	v38 =	vor.u32 $0x15, v1;
	v0 =	vadd.f32 v4, v0;
	v4 =	vmul.f32 v41, v41  }
0xc3: {  	v48 =	vld.idx.msk [tilespmem:v34+s9+$0x0], $0xffff  }
0xc4: {  	v40 =	vor.u32 $0x16, v1;
	v0 =	vadd.f32 v4, v0;
	v4 =	vmul.f32 v43, v43  }
0xc5: {  	v51 =	vld.idx.msk [tilespmem:v36+s9+$0x0], $0xffff  }
0xc6: {  	v42 =	vor.u32 $0x17, v1;
	v0 =	vadd.f32 v4, v0;
	v4 =	vmul.f32 v46, v46  }
0xc7: {  	v53 =	vld.idx.msk [tilespmem:v38+s9+$0x0], $0xffff  }
0xc8: {  	v44 =	vor.u32 $0x18, v1;
	v0 =	vadd.f32 v4, v0;
	v4 =	vmul.f32 v48, v48  }
0xc9: {  	v55 =	vld.idx.msk [tilespmem:v40+s9+$0x0], $0xffff  }
0xca: {  	v45 =	vor.u32 $0x19, v1;
	v0 =	vadd.f32 v4, v0;
	v4 =	vmul.f32 v51, v51  }
0xcb: {  	v56 =	vld.idx.msk [tilespmem:v42+s9+$0x0], $0xffff  }
0xcc: {  	v47 =	vor.u32 $0x1A, v1;
	v0 =	vadd.f32 v4, v0;
	v4 =	vmul.f32 v53, v53  }
0xcd: {  	v57 =	vld.idx.msk [tilespmem:v44+s9+$0x0], $0xffff  }
0xce: {  	v49 =	vor.u32 $0x1B, v1;
	v0 =	vadd.f32 v4, v0;
	v4 =	vmul.f32 v55, v55  }
0xcf: {  	v58 =	vld.idx.msk [tilespmem:v45+s9+$0x0], $0xffff  }
0xd0: {  	v50 =	vor.u32 $0x1C, v1;
	v0 =	vadd.f32 v4, v0;
	v4 =	vmul.f32 v56, v56  }
0xd1: {  	v59 =	vld.idx.msk [tilespmem:v47+s9+$0x0], $0xffff  }
0xd2: {  	v52 =	vor.u32 $0x1D, v1;
	v0 =	vadd.f32 v4, v0;
	v4 =	vmul.f32 v57, v57  }
0xd3: {  	v60 =	vld.idx.msk [tilespmem:v49+s9+$0x0], $0xffff  }
0xd4: {  	v54 =	vor.u32 $0x1E, v1;
	v62 =	vmul.f32 v58, v58;
	v0 =	vadd.f32 v4, v0  }
0xd5: {  	v61 =	vld.idx.msk [tilespmem:v50+s9+$0x0], $0xffff  }
0xd6: {  	v63 =	vmul.f32 v59, v59;
	v4 =	vor.u32 $0x1F, v1;
	v0 =	vadd.f32 v62, v0  }
0xd7: {  	v62 =	vld.idx.msk [tilespmem:v52+s9+$0x0], $0xffff  }
0xd8: {  	[tilespmem:$0x1FF90] =	vst v2;
	v2 =	vmul.f32 v60, v60;
	v0 =	vadd.f32 v63, v0  }
0xd9: {  	v63 =	vld.idx.msk [tilespmem:v54+s9+$0x0], $0xffff  }
0xda: {  	[tilespmem:$0x1FFA0] =	vst v5;
	v5 =	vmul.f32 v61, v61;
	v2 =	vadd.f32 v2, v0  }
0xdb: {  	v0 =	vld.idx.msk [tilespmem:v4+s9+$0x0], $0xffff  }
0xdc: {  	v2 =	vadd.f32 v5, v2;
	v5 =	vmul.f32 v62, v62;
	_ =	sdelay $0x1  }
0xdd: {  	v2 =	vadd.f32 v5, v2;
	v5 =	vmul.f32 v63, v63;
	_ =	sdelay $0x1  }
0xde: {  	v2 =	vadd.f32 v5, v2;
	v5 =	vmul.f32 v0, v0;
	_ =	sdelay $0x1  }
0xdf: {  	v2 =	vadd.f32 v5, v2;
	_ =	sdelay $0x1  }
0xe0: {  	v2 =	vmax.f32 v2, $1.000000020e-24  }
0xe1: {  	v5 =	vshra.s32 v2, $0x1;
	v2 =	vmul.f32 $5.000000000e-01, v2  }
0xe2: {  	v5 =	vsub.s32 $0x5F3759DF, v5  }
0xe3: {  	v6 =	vmul.f32 v5, v2;
	_ =	sdelay $0x1  }
0xe4: {  	v6 =	vmul.f32 v5, v6;
	_ =	sdelay $0x1  }
0xe5: {  	v6 =	vsub.f32 $1.500000000e+00, v6;
	_ =	sdelay $0x1  }
0xe6: {  	v5 =	vmul.f32 v5, v6;
	_ =	sdelay $0x1  }
0xe7: {  	v6 =	vmul.f32 v5, v2;
	_ =	sdelay $0x1  }
0xe8: {  	v6 =	vmul.f32 v6, v5;
	_ =	sdelay $0x1  }
0xe9: {  	v6 =	vsub.f32 $1.500000000e+00, v6;
	_ =	sdelay $0x1  }
0xea: {  	v5 =	vmul.f32 v6, v5;
	_ =	sdelay $0x1  }
0xeb: {  	v2 =	vmul.f32 v5, v2;
	_ =	sdelay $0x1  }
0xec: {  	v2 =	vmul.f32 v2, v5;
	_ =	sdelay $0x1  }
0xed: {  	v2 =	vsub.f32 $1.500000000e+00, v2;
	_ =	sdelay $0x1  }
0xee: {  	v2 =	vmul.f32 v2, v5;
	_ =	sdelay $0x1  }
0xef: {  	v5 =	vmul.f32 v2, v11;
	_ =	sdelay $0x1  }
0xf0: {  	[tilespmem:v1+s9+$0x0] =	vst.idx.msk $0xffff, v5;
	v5 =	vld [tilespmem:$0x1FF80];
	_ =	sdelay $0x3  }
0xf1: {  	v6 =	vmul.f32 v2, v13  }
0xf2: {  	v16 =	vmul.f32 v2, v16  }
0xf3: {  	v1 =	vmul.f32 v2, v14;
	[tilespmem:v7+s9+$0x0] =	vst.idx.msk $0xffff, v6  }
0xf4: {  	[tilespmem:v3+s9+$0x0] =	vst.idx.msk $0xffff, v16  }
0xf5: {  	[tilespmem:v5+s9+$0x0] =	vst.idx.msk $0xffff, v1;
	v5 =	vld [tilespmem:$0x1FF90];
	_ =	sdelay $0x5  }
0xf6: {  	v3 =	vmul.f32 v2, v17;
	_ =	sdelay $0x1  }
0xf7: {  	[tilespmem:v5+s9+$0x0] =	vst.idx.msk $0xffff, v3;
	v5 =	vld [tilespmem:$0x1FFA0];
	_ =	sdelay $0x5  }
0xf8: {  	v1 =	vmul.f32 v2, v19  }
0xf9: {  	v3 =	vmul.f32 v2, v21  }
0xfa: {  	[tilespmem:v5+s9+$0x0] =	vst.idx.msk $0xffff, v1;
	v1 =	vmul.f32 v2, v23  }
0xfb: {  	[tilespmem:v8+s9+$0x0] =	vst.idx.msk $0xffff, v3;
	v3 =	vmul.f32 v2, v25  }
0xfc: {  	[tilespmem:v9+s9+$0x0] =	vst.idx.msk $0xffff, v1;
	v1 =	vmul.f32 v2, v27  }
0xfd: {  	[tilespmem:v10+s9+$0x0] =	vst.idx.msk $0xffff, v3;
	v3 =	vmul.f32 v2, v29  }
0xfe: {  	[tilespmem:v12+s9+$0x0] =	vst.idx.msk $0xffff, v1;
	v1 =	vmul.f32 v2, v31  }
0xff: {  	[tilespmem:v15+s9+$0x0] =	vst.idx.msk $0xffff, v3;
	v3 =	vmul.f32 v2, v33  }
0x100: {  	[tilespmem:v18+s9+$0x0] =	vst.idx.msk $0xffff, v1;
	v1 =	vmul.f32 v2, v35  }
0x101: {  	[tilespmem:v20+s9+$0x0] =	vst.idx.msk $0xffff, v3;
	v3 =	vmul.f32 v2, v37  }
0x102: {  	[tilespmem:v22+s9+$0x0] =	vst.idx.msk $0xffff, v1;
	v1 =	vmul.f32 v2, v39  }
0x103: {  	[tilespmem:v24+s9+$0x0] =	vst.idx.msk $0xffff, v3;
	v3 =	vmul.f32 v2, v41  }
0x104: {  	[tilespmem:v26+s9+$0x0] =	vst.idx.msk $0xffff, v1;
	v1 =	vmul.f32 v2, v43  }
0x105: {  	[tilespmem:v28+s9+$0x0] =	vst.idx.msk $0xffff, v3;
	v3 =	vmul.f32 v2, v46  }
0x106: {  	[tilespmem:v30+s9+$0x0] =	vst.idx.msk $0xffff, v1;
	v1 =	vmul.f32 v2, v48  }
0x107: {  	[tilespmem:v32+s9+$0x0] =	vst.idx.msk $0xffff, v3;
	v3 =	vmul.f32 v2, v51  }
0x108: {  	[tilespmem:v34+s9+$0x0] =	vst.idx.msk $0xffff, v1;
	v1 =	vmul.f32 v2, v53  }
0x109: {  	[tilespmem:v36+s9+$0x0] =	vst.idx.msk $0xffff, v3;
	v3 =	vmul.f32 v2, v55  }
0x10a: {  	[tilespmem:v38+s9+$0x0] =	vst.idx.msk $0xffff, v1;
	v1 =	vmul.f32 v2, v56  }
0x10b: {  	[tilespmem:v40+s9+$0x0] =	vst.idx.msk $0xffff, v3;
	v3 =	vmul.f32 v2, v57  }
0x10c: {  	s21 =	smov.u32 s20;
	[tilespmem:v42+s9+$0x0] =	vst.idx.msk $0xffff, v1;
	v1 =	vmul.f32 v2, v58  }
0x10d: {  	v5 =	vmov s21;
	[tilespmem:v44+s9+$0x0] =	vst.idx.msk $0xffff, v3  }
0x10e: {  	[tilespmem:v45+s9+$0x0] =	vst.idx.msk $0xffff, v1;
	v1 =	vshll.u32 v5, $0x5;
	v5 =	vld [tilespmem:$0x1FFF0];
	_ =	sdelay $0x1  }
0x10f: {  	v3 =	vmul.f32 v2, v59  }
0x110: {  	p0 =	sne.s32 s20, $0x1F0;
	v6 =	vmul.f32 v2, v60  }
.Ltmp0:
0x111: {  	[tilespmem:v47+s9+$0x0] =	vst.idx.msk $0xffff, v3;
	v3 =	vmul.f32 v2, v61;
	(pc) =	sbr.rel @p0 .LBB2_2-.Ltmp0, $4  }
0x112: {  	[tilespmem:v49+s9+$0x0] =	vst.idx.msk $0xffff, v6;
	v1 =	vor.u32 v5, v1;
	v5 =	vmul.f32 v2, v62  }
0x113: {  	v6 =	vmul.f32 v2, v63;
	[tilespmem:v50+s9+$0x0] =	vst.idx.msk $0xffff, v3  }
0x114: {  	[tilespmem:v52+s9+$0x0] =	vst.idx.msk $0xffff, v5  }
0x115: {  	s20 =	sadd.s32 $0x10, s20;
	v0 =	vmul.f32 v2, v0;
	v7 =	vor.u32 $0x1, v1;
	v3 =	vor.u32 $0x2, v1;
	[tilespmem:v54+s9+$0x0] =	vst.idx.msk $0xffff, v6  }
0x116: {  	_ =	sdelay $0x3  }
0x117: {  	[tilespmem:v4+s9+$0x0] =	vst.idx.msk $0xffff, v0  }
0x118: {  	v0 =	vor.u32 $0x3, v1;
	v10 =	vld.idx.msk [tilespmem:v1+s9+$0x0], $0xffff  }
0x119: {  	v11 =	vld.idx.msk [tilespmem:v7+s9+$0x0], $0xffff  }
0x11a: {  	v2 =	vor.u32 $0x4, v1  }
0x11b: {  	v12 =	vld.idx.msk [tilespmem:v3+s9+$0x0], $0xffff  }
0x11c: {  	v49 =	vor.u32 $0x5, v1  }
0x11d: {  	v13 =	vld.idx.msk [tilespmem:v0+s9+$0x0], $0xffff  }
0x11e: {  	v5 =	vor.u32 $0x6, v1;
	v8 =	vmul.f32 v10, v10;
	v9 =	vmul.f32 v11, v11  }
0x11f: {  	v15 =	vld.idx.msk [tilespmem:v2+s9+$0x0], $0xffff  }
0x120: {  	v6 =	vor.u32 $0x7, v1;
	v14 =	vmul.f32 v12, v12;
	v9 =	vadd.f32 v9, v8  }
0x121: {  	v17 =	vld.idx.msk [tilespmem:v49+s9+$0x0], $0xffff  }
0x122: {  	v8 =	vor.u32 $0x8, v1;
	v14 =	vadd.f32 v14, v9;
	v16 =	vmul.f32 v13, v13  }
0x123: {  	v19 =	vld.idx.msk [tilespmem:v5+s9+$0x0], $0xffff  }
0x124: {  	v18 =	vmul.f32 v15, v15;
	v9 =	vor.u32 $0x9, v1;
	v16 =	vadd.f32 v16, v14  }
0x125: {  	v21 =	vld.idx.msk [tilespmem:v6+s9+$0x0], $0xffff  }
0x126: {  	v20 =	vmul.f32 v17, v17;
	v14 =	vor.u32 $0xA, v1;
	v18 =	vadd.f32 v18, v16  }
0x127: {  	v23 =	vld.idx.msk [tilespmem:v8+s9+$0x0], $0xffff  }
0x128: {  	v22 =	vmul.f32 v19, v19;
	v16 =	vor.u32 $0xB, v1;
	v20 =	vadd.f32 v20, v18  }
0x129: {  	v25 =	vld.idx.msk [tilespmem:v9+s9+$0x0], $0xffff  }
0x12a: {  	v24 =	vmul.f32 v21, v21;
	v18 =	vor.u32 $0xC, v1;
	v22 =	vadd.f32 v22, v20  }
0x12b: {  	v26 =	vld.idx.msk [tilespmem:v14+s9+$0x0], $0xffff  }
0x12c: {  	v20 =	vor.u32 $0xD, v1;
	v27 =	vmul.f32 v23, v23;
	v24 =	vadd.f32 v24, v22  }
0x12d: {  	v28 =	vld.idx.msk [tilespmem:v16+s9+$0x0], $0xffff  }
0x12e: {  	v22 =	vor.u32 $0xE, v1;
	v29 =	vmul.f32 v25, v25;
	v27 =	vadd.f32 v27, v24  }
0x12f: {  	v30 =	vld.idx.msk [tilespmem:v18+s9+$0x0], $0xffff  }
0x130: {  	v24 =	vor.u32 $0xF, v1;
	v50 =	vmul.f32 v26, v26;
	v27 =	vadd.f32 v29, v27  }
0x131: {  	v31 =	vld.idx.msk [tilespmem:v20+s9+$0x0], $0xffff  }
0x132: {  	v32 =	vor.u32 $0x10, v1;
	v51 =	vmul.f32 v28, v28;
	v27 =	vadd.f32 v50, v27  }
0x133: {  	v33 =	vld.idx.msk [tilespmem:v22+s9+$0x0], $0xffff  }
0x134: {  	v34 =	vor.u32 $0x11, v1;
	v52 =	vmul.f32 v30, v30;
	v27 =	vadd.f32 v51, v27  }
0x135: {  	v35 =	vld.idx.msk [tilespmem:v24+s9+$0x0], $0xffff  }
0x136: {  	v36 =	vor.u32 $0x12, v1;
	v53 =	vmul.f32 v31, v31;
	v27 =	vadd.f32 v52, v27  }
0x137: {  	v37 =	vld.idx.msk [tilespmem:v32+s9+$0x0], $0xffff  }
0x138: {  	v38 =	vor.u32 $0x13, v1;
	v54 =	vmul.f32 v33, v33;
	v27 =	vadd.f32 v53, v27  }
0x139: {  	v39 =	vld.idx.msk [tilespmem:v34+s9+$0x0], $0xffff  }
0x13a: {  	v40 =	vor.u32 $0x14, v1;
	v55 =	vmul.f32 v35, v35;
	v27 =	vadd.f32 v54, v27  }
0x13b: {  	v41 =	vld.idx.msk [tilespmem:v36+s9+$0x0], $0xffff  }
0x13c: {  	v42 =	vor.u32 $0x15, v1;
	v56 =	vmul.f32 v37, v37;
	v27 =	vadd.f32 v55, v27  }
0x13d: {  	v43 =	vld.idx.msk [tilespmem:v38+s9+$0x0], $0xffff  }
0x13e: {  	v44 =	vor.u32 $0x16, v1;
	v57 =	vmul.f32 v39, v39;
	v27 =	vadd.f32 v56, v27  }
0x13f: {  	v45 =	vld.idx.msk [tilespmem:v40+s9+$0x0], $0xffff  }
0x140: {  	v46 =	vor.u32 $0x17, v1;
	v58 =	vmul.f32 v41, v41;
	v27 =	vadd.f32 v57, v27  }
0x141: {  	v47 =	vld.idx.msk [tilespmem:v42+s9+$0x0], $0xffff  }
0x142: {  	v48 =	vor.u32 $0x18, v1;
	v59 =	vmul.f32 v43, v43;
	v27 =	vadd.f32 v58, v27  }
0x143: {  	[tilespmem:$0x1FF70] =	vst v49;
	v49 =	vld.idx.msk [tilespmem:v44+s9+$0x0], $0xffff  }
0x144: {  	v60 =	vmul.f32 v45, v45;
	v50 =	vor.u32 $0x19, v1;
	v27 =	vadd.f32 v59, v27  }
0x145: {  	v51 =	vld.idx.msk [tilespmem:v46+s9+$0x0], $0xffff  }
0x146: {  	v61 =	vmul.f32 v47, v47;
	v52 =	vor.u32 $0x1A, v1;
	v27 =	vadd.f32 v60, v27  }
0x147: {  	v53 =	vld.idx.msk [tilespmem:v48+s9+$0x0], $0xffff  }
0x148: {  	v62 =	vmul.f32 v49, v49;
	v54 =	vor.u32 $0x1B, v1;
	v27 =	vadd.f32 v61, v27  }
0x149: {  	v55 =	vld.idx.msk [tilespmem:v50+s9+$0x0], $0xffff  }
0x14a: {  	v63 =	vmul.f32 v51, v51;
	v56 =	vor.u32 $0x1C, v1;
	v27 =	vadd.f32 v62, v27  }
0x14b: {  	v57 =	vld.idx.msk [tilespmem:v52+s9+$0x0], $0xffff  }
0x14c: {  	v4 =	vmul.f32 v53, v53;
	v58 =	vor.u32 $0x1D, v1;
	v27 =	vadd.f32 v63, v27  }
0x14d: {  	v59 =	vld.idx.msk [tilespmem:v54+s9+$0x0], $0xffff  }
0x14e: {  	v60 =	vor.u32 $0x1E, v1;
	v27 =	vadd.f32 v4, v27;
	v4 =	vmul.f32 v55, v55  }
0x14f: {  	v61 =	vld.idx.msk [tilespmem:v56+s9+$0x0], $0xffff  }
0x150: {  	v62 =	vor.u32 $0x1F, v1;
	v27 =	vadd.f32 v4, v27;
	v4 =	vmul.f32 v57, v57  }
0x151: {  	v63 =	vld.idx.msk [tilespmem:v58+s9+$0x0], $0xffff  }
0x152: {  	v27 =	vadd.f32 v4, v27;
	v4 =	vmul.f32 v59, v59  }
0x153: {  	[tilespmem:$0x1FF60] =	vst v2;
	v2 =	vld.idx.msk [tilespmem:v60+s9+$0x0], $0xffff  }
0x154: {  	v27 =	vadd.f32 v4, v27;
	v4 =	vmul.f32 v61, v61  }
0x155: {  	[tilespmem:$0x1FF50] =	vst v0;
	v0 =	vld.idx.msk [tilespmem:v62+s9+$0x0], $0xffff  }
0x156: {  	v27 =	vadd.f32 v4, v27;
	v4 =	vmul.f32 v63, v63;
	_ =	sdelay $0x1  }
0x157: {  	v27 =	vadd.f32 v4, v27;
	v4 =	vmul.f32 v2, v2;
	_ =	sdelay $0x1  }
0x158: {  	v27 =	vadd.f32 v4, v27;
	v4 =	vmul.f32 v0, v0;
	_ =	sdelay $0x1  }
0x159: {  	v27 =	vadd.f32 v4, v27;
	_ =	sdelay $0x1  }
0x15a: {  	v27 =	vmax.f32 v27, $1.000000020e-24  }
0x15b: {  	v4 =	vshra.s32 v27, $0x1;
	v27 =	vmul.f32 $5.000000000e-01, v27  }
0x15c: {  	v29 =	vsub.s32 $0x5F3759DF, v4  }
0x15d: {  	v4 =	vmul.f32 v29, v27;
	_ =	sdelay $0x1  }
0x15e: {  	v4 =	vmul.f32 v29, v4;
	_ =	sdelay $0x1  }
0x15f: {  	v4 =	vsub.f32 $1.500000000e+00, v4;
	_ =	sdelay $0x1  }
0x160: {  	v4 =	vmul.f32 v29, v4;
	_ =	sdelay $0x1  }
0x161: {  	v29 =	vmul.f32 v4, v27;
	_ =	sdelay $0x1  }
0x162: {  	v29 =	vmul.f32 v29, v4;
	_ =	sdelay $0x1  }
0x163: {  	v29 =	vsub.f32 $1.500000000e+00, v29;
	_ =	sdelay $0x1  }
0x164: {  	v4 =	vmul.f32 v29, v4;
	_ =	sdelay $0x1  }
0x165: {  	v27 =	vmul.f32 v4, v27;
	_ =	sdelay $0x1  }
0x166: {  	v27 =	vmul.f32 v27, v4;
	_ =	sdelay $0x1  }
0x167: {  	v27 =	vsub.f32 $1.500000000e+00, v27;
	_ =	sdelay $0x1  }
0x168: {  	v4 =	vmul.f32 v27, v4;
	_ =	sdelay $0x1  }
0x169: {  	v10 =	vmul.f32 v4, v10  }
0x16a: {  	v11 =	vmul.f32 v4, v11  }
0x16b: {  	[tilespmem:v1+s9+$0x0] =	vst.idx.msk $0xffff, v10;
	v1 =	vmul.f32 v4, v12  }
0x16c: {  	[tilespmem:v7+s9+$0x0] =	vst.idx.msk $0xffff, v11  }
0x16d: {  	[tilespmem:v3+s9+$0x0] =	vst.idx.msk $0xffff, v1;
	v3 =	vld [tilespmem:$0x1FF50]  }
0x16e: {  	v27 =	vld [tilespmem:$0x1FF60]  }
0x16f: {  	v29 =	vld [tilespmem:$0x1FF70];
	_ =	sdelay $0x3  }
0x170: {  	v13 =	vmul.f32 v4, v13  }
0x171: {  	v1 =	vmul.f32 v4, v15  }
0x172: {  	[tilespmem:v3+s9+$0x0] =	vst.idx.msk $0xffff, v13;
	v3 =	vmul.f32 v4, v17  }
0x173: {  	[tilespmem:v27+s9+$0x0] =	vst.idx.msk $0xffff, v1;
	v1 =	vmul.f32 v4, v19  }
0x174: {  	[tilespmem:v29+s9+$0x0] =	vst.idx.msk $0xffff, v3;
	v3 =	vmul.f32 v4, v21  }
0x175: {  	[tilespmem:v5+s9+$0x0] =	vst.idx.msk $0xffff, v1;
	v1 =	vmul.f32 v4, v23  }
0x176: {  	[tilespmem:v6+s9+$0x0] =	vst.idx.msk $0xffff, v3;
	v3 =	vmul.f32 v4, v25  }
0x177: {  	[tilespmem:v8+s9+$0x0] =	vst.idx.msk $0xffff, v1;
	v1 =	vmul.f32 v4, v26  }
0x178: {  	[tilespmem:v9+s9+$0x0] =	vst.idx.msk $0xffff, v3;
	v3 =	vmul.f32 v4, v28  }
0x179: {  	[tilespmem:v14+s9+$0x0] =	vst.idx.msk $0xffff, v1;
	v1 =	vmul.f32 v4, v30  }
0x17a: {  	[tilespmem:v16+s9+$0x0] =	vst.idx.msk $0xffff, v3;
	v3 =	vmul.f32 v4, v31  }
0x17b: {  	[tilespmem:v18+s9+$0x0] =	vst.idx.msk $0xffff, v1;
	v1 =	vmul.f32 v4, v33  }
0x17c: {  	[tilespmem:v20+s9+$0x0] =	vst.idx.msk $0xffff, v3;
	v3 =	vmul.f32 v4, v35  }
0x17d: {  	[tilespmem:v22+s9+$0x0] =	vst.idx.msk $0xffff, v1;
	v1 =	vmul.f32 v4, v37  }
0x17e: {  	[tilespmem:v24+s9+$0x0] =	vst.idx.msk $0xffff, v3;
	v3 =	vmul.f32 v4, v39  }
0x17f: {  	[tilespmem:v32+s9+$0x0] =	vst.idx.msk $0xffff, v1;
	v1 =	vmul.f32 v4, v41  }
0x180: {  	[tilespmem:v34+s9+$0x0] =	vst.idx.msk $0xffff, v3;
	v3 =	vmul.f32 v4, v43  }
0x181: {  	[tilespmem:v36+s9+$0x0] =	vst.idx.msk $0xffff, v1;
	v1 =	vmul.f32 v4, v45  }
0x182: {  	[tilespmem:v38+s9+$0x0] =	vst.idx.msk $0xffff, v3;
	v3 =	vmul.f32 v4, v47  }
0x183: {  	[tilespmem:v40+s9+$0x0] =	vst.idx.msk $0xffff, v1;
	v1 =	vmul.f32 v4, v49  }
0x184: {  	[tilespmem:v42+s9+$0x0] =	vst.idx.msk $0xffff, v3;
	v3 =	vmul.f32 v4, v51  }
0x185: {  	[tilespmem:v44+s9+$0x0] =	vst.idx.msk $0xffff, v1;
	v1 =	vmul.f32 v4, v53  }
0x186: {  	[tilespmem:v46+s9+$0x0] =	vst.idx.msk $0xffff, v3;
	v3 =	vmul.f32 v4, v55  }
0x187: {  	[tilespmem:v48+s9+$0x0] =	vst.idx.msk $0xffff, v1;
	v1 =	vmul.f32 v4, v57  }
0x188: {  	[tilespmem:v50+s9+$0x0] =	vst.idx.msk $0xffff, v3;
	v3 =	vmul.f32 v4, v59  }
0x189: {  	[tilespmem:v52+s9+$0x0] =	vst.idx.msk $0xffff, v1;
	v1 =	vmul.f32 v4, v61  }
0x18a: {  	[tilespmem:v54+s9+$0x0] =	vst.idx.msk $0xffff, v3;
	v3 =	vmul.f32 v4, v63  }
0x18b: {  	[tilespmem:v56+s9+$0x0] =	vst.idx.msk $0xffff, v1;
	v1 =	vmul.f32 v4, v2  }
0x18c: {  	s19 =	sadd.s32 $0x1, s19;
	v0 =	vmul.f32 v4, v0;
	[tilespmem:v58+s9+$0x0] =	vst.idx.msk $0xffff, v3  }
0x18d: {  	p0 =	sne.s32 s19, s6;
	[tilespmem:v60+s9+$0x0] =	vst.idx.msk $0xffff, v1  }
.Ltmp1:
0x18e: {  	[tilespmem:v62+s9+$0x0] =	vst.idx.msk $0xffff, v0;
	(pc) =	sbr.rel @p0 .LBB2_1-.Ltmp1, $4  }
0x18f: {  	[hbm4b:s5+s2] =	stream.linear.scatter [tilespmem:s9], [sflag:$0x5], $0x4000, $0x38;
	[tilespmem:$0x4200] =	vst v63  }
0x190: {  	_ =	swait.ge [sflag:s7], $0x4000  }
0x191: {  	[sflag:s7] =	ssyncset.done $0x0  }
0x192: {  	v1 =	vld [tilespmem:$0x1FFF0];
	[sflag:s7] =	ssyncadd.s32 $0xFFFFC000  }
0x193: {  	_ =	sfence.sel $0x180000  }
0x194: {  	[bflag:$0x0] =	sbarrier.arrive $0xFFFF  }
0x195: {  	p0 =	sne.s32 s1, $0x0;
	_ =	strace $0x90000047  }
0x196: {  	s0 =	sadd.s32 @!p0 $0x100000, s0;
	[bflag:$0x2] =	sbarrier.arrive $0xFFFF  }
0x197: {  	[sflag:s0] =	ssyncadd.tile.s32 @!p0 $0x1;
	_ =	shalt  }
.Lfunc_end2:
_tile_overlayer_lowered:
.L_overlay_start_2:
0x198: {  	(tag) =	ssettag $0x2  }
0x199: {  	s0 =	rddreg [dreg:$0x0];
	s2 =	stileid.u32  }
0x19a: {  	s1 =	rddreg [dreg:$0x1];
	p0 =	sne.s32 s2, $0x0  }
0x19b: {  	s3 =	rddreg [dreg:$0x2];
	[bflag:$0x3] =	sbarrier.arrive $0xFFFF;
	s2 =	simm.s32 @!p0 $0x1C05  }
0x19c: {  	[timem:s3], [sflag:s2] =	dma.local @!p0 [hbm:s0], s1  }
0x19d: {  	s0 =	simm.s32 @!p0 $0x5  }
0x19e: {  	_ =	swait.ge @!p0 [sflag:s0], s1  }
0x19f: {  	s1 =	ssub.s32 @!p0 $0x0, s1;
	[sflag:s0] =	ssyncset.done @!p0 $0x0  }
0x1a0: {  	[sflag:s0] =	ssyncadd.s32 @!p0 s1  }
0x1a1: {  	[bflag:$0x3] =	sbarrier.arrive $0xFFFF  }
0x1a2: {  	_ =	shalt  }

</sc_bundles>
